<compile_context>
chip_gen: v7x
topology: tpu7x:2x2x1
jax: 0.10.2.dev20260603
libtpu: 0.0.44.dev20260713+nightly
codegen_flags: <defaults>
</compile_context>

<pallas_src>
import functools

import jax
import jax.numpy as jnp
import numpy as np
from jax import lax
from jax.experimental import pallas as pl
from jax.experimental.pallas import tpu as pltpu
from jax.experimental.pallas import tpu_sc as plsc

_DEPTH = 64
_SEQ = 200
_NC, _NS, _L = 2, 16, 16
_NW = _NC * _NS
_CHUNK = _SEQ
_NBUF = 4


def _pos_encoding(length, depth, n=10000):
    positions = np.arange(length)[:, np.newaxis]
    depths = np.arange(depth)[np.newaxis, :] / depth
    angle_rates = 1 / n**depths
    angle_rads = positions * angle_rates
    angle_rads[:, 0::2] = np.sin(angle_rads[:, 0::2])
    angle_rads[:, 1::2] = np.cos(angle_rads[:, 1::2])
    return angle_rads.astype(np.float32)


_POS = _pos_encoding(_SEQ, _DEPTH)


def _make_sc_kernel(batch, seq):
    rows_per_w = batch * seq // _NW
    batch_per_w = batch // _NW
    n_chunks = rows_per_w // _CHUNK
    mesh = plsc.VectorSubcoreMesh(
        core_axis_name="c", subcore_axis_name="s", num_cores=_NC,
        num_subcores=_NS)

    @functools.partial(
        pl.kernel,
        out_type=jax.ShapeDtypeStruct((batch, seq, _DEPTH), jnp.float32),
        mesh=mesh,
        scratch_types=[
            pltpu.VMEM((batch_per_w, seq), jnp.int32),
            pltpu.VMEM((_SEQ, _DEPTH), jnp.float32),
            pltpu.VMEM((_NBUF, _CHUNK, _DEPTH), jnp.float32),
        ] + [pltpu.SemaphoreType.DMA] * (2 * _NBUF),
        compiler_params=pltpu.CompilerParams(use_tc_tiling_on_sc=False),
    )
    def k(x_hbm, table_hbm, pos_hbm, out_hbm, idxs, posb, rows, *sems):
        gsems, osems = sems[:_NBUF], sems[_NBUF:]
        wid = lax.axis_index("s") * _NC + lax.axis_index("c")
        b0 = wid * batch_per_w
        pltpu.sync_copy(x_hbm.at[pl.ds(b0, batch_per_w)], idxs)
        pltpu.sync_copy(pos_hbm, posb)

        def gather_start(c, b):
            pltpu.async_copy(
                table_hbm.at[idxs.at[c]], rows.at[b], gsems[b])

        def gather_wait(b):
            pltpu.make_async_copy(
                out_hbm.at[b0], rows.at[b], gsems[b]).wait()

        def scatter_wait(b):
            pltpu.make_async_copy(
                rows.at[b], out_hbm.at[b0], osems[b]).wait()

        for b in range(_NBUF - 1):
            gather_start(b, b)

        @pl.loop(0, n_chunks, step=_NBUF)
        def _chunks(c0):
            for b in range(_NBUF):
                c = c0 + b
                gather_wait(b)

                @plsc.parallel_loop(0, _CHUNK, 1, unroll=2)
                def _row(i):
                    for d in range(_DEPTH // _L):
                        sl = pl.ds(d * _L, _L)
                        rows[b, i, sl] = rows[b, i, sl] * 8.0 + posb[i, sl]

                pltpu.async_copy(
                    rows.at[b], out_hbm.at[b0 + c], osems[b])

                nc = c + _NBUF - 1
                bb = (b + _NBUF - 1) % _NBUF
                @pl.when(nc < n_chunks)
                def _():
                    @pl.when(nc >= _NBUF)
                    def _():
                        scatter_wait(bb)
                    gather_start(nc, bb)

        for b in range(_NBUF):
            scatter_wait(b)

    return k


@jax.jit
def kernel(x, table):
    b, s = x.shape
    pos = jnp.asarray(_POS)
    return _make_sc_kernel(b, s)(x.astype(jnp.int32), table, pos)

# --- scband reference (transcript-rebuilt; emitter-appended) ---
"""Pipeline reference for scband-sinu-soidal-27986006901452 (READ-ONLY COPY).

The authoritative reference and input builder live on the scoring server;
editing this copy changes nothing except your own understanding.
"""

import jax, jax.numpy as jnp
import numpy as np

VOCAB = 1000000
DEPTH = 64
MAX_LEN = 200
BATCH = 1024
SEQ = 200


def _get_positional_encoding(length, depth, n=10000):
    positions = np.arange(length)[:, np.newaxis]
    depths = np.arange(depth)[np.newaxis, :] / depth
    angle_rates = 1 / n ** depths
    angle_rads = positions * angle_rates
    angle_rads[:, 0::2] = np.sin(angle_rads[:, 0::2])
    angle_rads[:, 1::2] = np.cos(angle_rads[:, 1::2])
    return jnp.asarray(angle_rads, dtype=jnp.float32)


def setup_inputs(seed: int = 0):
    key = jax.random.key(seed)
    k1, k2 = jax.random.split(key)
    x = jax.random.randint(k1, (BATCH, SEQ), 0, VOCAB)
    table = jax.random.normal(k2, (VOCAB, DEPTH), dtype=jnp.float32) * 0.02
    return {"x": x, "table": table}


def reference(x, table):
    # Embedding lookup
    emb = jnp.take(table, x, axis=0)
    # Scale by sqrt(depth) as in Attention Is All You Need
    emb = emb * jnp.sqrt(jnp.asarray(DEPTH, dtype=jnp.float32))
    # Add sinusoidal positional encoding (static, non-learned)
    length = x.shape[1]
    pos_encoding = _get_positional_encoding(MAX_LEN, DEPTH)
    emb = emb + pos_encoding[jnp.newaxis, :length, :]
    return emb

if __name__ == "__main__":
    import jax
    _d = setup_inputs()
    print(jax.jit(kernel)(*tuple(_d.values())))

</pallas_src>

<mosaic_0001>
#map = affine_map<(d0, d1) -> (0, 0)>
#map1 = affine_map<(d0, d1) -> (0, 0, 0)>
module attributes {stable_mosaic.version = 14 : i64} {
  func.func @k(%arg0: i32, %arg1: i32, %arg2: memref<1024x200xi32, #tpu.memory_space<hbm>>, %arg3: memref<1000000x64xf32, #tpu.memory_space<hbm>>, %arg4: memref<200x64xf32, #tpu.memory_space<hbm>>, %arg5: memref<1024x200x64xf32, #tpu.memory_space<hbm>>, %arg6: memref<32x200xi32, #tpu.memory_space<vmem>>, %arg7: memref<200x64xf32, #tpu.memory_space<vmem>>, %arg8: memref<4x200x64xf32, #tpu.memory_space<vmem>>, %arg9: memref<!tpu.dma_semaphore, #tpu.memory_space<semaphore_mem>>, %arg10: memref<!tpu.dma_semaphore, #tpu.memory_space<semaphore_mem>>, %arg11: memref<!tpu.dma_semaphore, #tpu.memory_space<semaphore_mem>>, %arg12: memref<!tpu.dma_semaphore, #tpu.memory_space<semaphore_mem>>, %arg13: memref<!tpu.dma_semaphore, #tpu.memory_space<semaphore_mem>>, %arg14: memref<!tpu.dma_semaphore, #tpu.memory_space<semaphore_mem>>, %arg15: memref<!tpu.dma_semaphore, #tpu.memory_space<semaphore_mem>>, %arg16: memref<!tpu.dma_semaphore, #tpu.memory_space<semaphore_mem>>) attributes {dimension_semantics = [#tpu.dimension_semantics<core_parallel>, #tpu.dimension_semantics<subcore_parallel>], iteration_bounds = array<i64: 2, 16>, scalar_prefetch = 0 : i64, scratch_operands = 11 : i64, tpu.core_type = #tpu.core_type<sc_vector_subcore>, window_params = [{transform_indices = #map}, {transform_indices = #map}, {transform_indices = #map}, {transform_indices = #map1}]} {
    %mul3A = arith.constant 2 : i32
    %mul3A_0 = arith.muli %arg1, %mul3A : i32
    %add3A = arith.addi %mul3A_0, %arg0 : i32
    %mul3A_1 = arith.constant 32 : i32
    %mul3A_2 = arith.muli %add3A, %mul3A_1 : i32
    "tpu.region"() ({
      %run_scoped3A = tpu.sem_alloc : memref<!tpu.dma_semaphore, #tpu.memory_space<semaphore_mem>>
      %dma_start3A_109 = arith.constant 0 : i32
      %dma_start3A_110 = tpu.memref_slice %arg2[%mul3A_2, %dma_start3A_109] : memref<1024x200xi32, #tpu.memory_space<hbm>> -> memref<32x200xi32, #tpu.memory_space<hbm>>
      %dma_start3A_111 = arith.constant 0 : i32
      %dma_start3A_112 = tpu.memref_slice %arg2[%mul3A_2, %dma_start3A_111] : memref<1024x200xi32, #tpu.memory_space<hbm>> -> memref<32x200xi32, #tpu.memory_space<hbm>>
      tpu.enqueue_dma source(%dma_start3A_112 : memref<32x200xi32, #tpu.memory_space<hbm>>) target(%arg6 : memref<32x200xi32, #tpu.memory_space<vmem>>) target_semaphore(%run_scoped3A : memref<!tpu.dma_semaphore, #tpu.memory_space<semaphore_mem>>)
      %dma_wait3A_113 = arith.constant 0 : i32
      %dma_wait3A_114 = tpu.memref_slice %arg2[%mul3A_2, %dma_wait3A_113] : memref<1024x200xi32, #tpu.memory_space<hbm>> -> memref<32x200xi32, #tpu.memory_space<hbm>>
      %dma_wait3A_115 = arith.constant 0 : i32
      %dma_wait3A_116 = tpu.memref_slice %arg2[%mul3A_2, %dma_wait3A_115] : memref<1024x200xi32, #tpu.memory_space<hbm>> -> memref<32x200xi32, #tpu.memory_space<hbm>>
      tpu.wait_dma2 semaphore(%run_scoped3A : memref<!tpu.dma_semaphore, #tpu.memory_space<semaphore_mem>>) src(%dma_wait3A_116 : memref<32x200xi32, #tpu.memory_space<hbm>>) dst(%arg6 : memref<32x200xi32, #tpu.memory_space<vmem>>)
      tpu.yield
    }) : () -> ()
    "tpu.region"() ({
      %run_scoped3A = tpu.sem_alloc : memref<!tpu.dma_semaphore, #tpu.memory_space<semaphore_mem>>
      tpu.enqueue_dma source(%arg4 : memref<200x64xf32, #tpu.memory_space<hbm>>) target(%arg7 : memref<200x64xf32, #tpu.memory_space<vmem>>) target_semaphore(%run_scoped3A : memref<!tpu.dma_semaphore, #tpu.memory_space<semaphore_mem>>)
      tpu.wait_dma2 semaphore(%run_scoped3A : memref<!tpu.dma_semaphore, #tpu.memory_space<semaphore_mem>>) src(%arg4 : memref<200x64xf32, #tpu.memory_space<hbm>>) dst(%arg7 : memref<200x64xf32, #tpu.memory_space<vmem>>)
      tpu.yield
    }) : () -> ()
    %dma_start3A = arith.constant 0 : i32
    %dma_start3A_3 = arith.constant 0 : i32
    %dma_start3A_4 = arith.constant 0 : i32
    %dma_start3A_5 = arith.constant 0 : i32
    %dma_start3A_6 = tpu.memref_slice %arg8[%dma_start3A_3, %dma_start3A_4, %dma_start3A_5] : memref<4x200x64xf32, #tpu.memory_space<vmem>> -> memref<1x200x64xf32, #tpu.memory_space<vmem>>
    %dma_start3A_7 = tpu.memref_squeeze %dma_start3A_6 : memref<1x200x64xf32, #tpu.memory_space<vmem>> -> memref<200x64xf32, #tpu.memory_space<vmem>>
    %dma_start3A_8 = arith.constant 0 : i32
    %dma_start3A_9 = tpu.memref_slice %arg6[%dma_start3A, %dma_start3A_8] : memref<32x200xi32, #tpu.memory_space<vmem>> -> memref<1x200xi32, #tpu.memory_space<vmem>>
    %dma_start3A_10 = tpu.memref_squeeze %dma_start3A_9 : memref<1x200xi32, #tpu.memory_space<vmem>> -> memref<200xi32, #tpu.memory_space<vmem>>
    %dma_start3A_11 = arith.constant 0 : i32
    %dma_start3A_12 = arith.constant 0 : i32
    %dma_start3A_13 = tpu.memref_slice %arg3[%dma_start3A_11, %dma_start3A_12] : memref<1000000x64xf32, #tpu.memory_space<hbm>> -> memref<1000000x64xf32, #tpu.memory_space<hbm>>
    tpu.enqueue_indirect_dma source(%dma_start3A_13 : memref<1000000x64xf32, #tpu.memory_space<hbm>>) target(%dma_start3A_7 : memref<200x64xf32, #tpu.memory_space<vmem>>) offsets(%dma_start3A_10 : memref<200xi32, #tpu.memory_space<vmem>>) semaphore(%arg9 : memref<!tpu.dma_semaphore, #tpu.memory_space<semaphore_mem>>)
    %dma_start3A_14 = arith.constant 1 : i32
    %dma_start3A_15 = arith.constant 1 : i32
    %dma_start3A_16 = arith.constant 0 : i32
    %dma_start3A_17 = arith.constant 0 : i32
    %dma_start3A_18 = tpu.memref_slice %arg8[%dma_start3A_15, %dma_start3A_16, %dma_start3A_17] : memref<4x200x64xf32, #tpu.memory_space<vmem>> -> memref<1x200x64xf32, #tpu.memory_space<vmem>>
    %dma_start3A_19 = tpu.memref_squeeze %dma_start3A_18 : memref<1x200x64xf32, #tpu.memory_space<vmem>> -> memref<200x64xf32, #tpu.memory_space<vmem>>
    %dma_start3A_20 = arith.constant 0 : i32
    %dma_start3A_21 = tpu.memref_slice %arg6[%dma_start3A_14, %dma_start3A_20] : memref<32x200xi32, #tpu.memory_space<vmem>> -> memref<1x200xi32, #tpu.memory_space<vmem>>
    %dma_start3A_22 = tpu.memref_squeeze %dma_start3A_21 : memref<1x200xi32, #tpu.memory_space<vmem>> -> memref<200xi32, #tpu.memory_space<vmem>>
    %dma_start3A_23 = arith.constant 0 : i32
    %dma_start3A_24 = arith.constant 0 : i32
    %dma_start3A_25 = tpu.memref_slice %arg3[%dma_start3A_23, %dma_start3A_24] : memref<1000000x64xf32, #tpu.memory_space<hbm>> -> memref<1000000x64xf32, #tpu.memory_space<hbm>>
    tpu.enqueue_indirect_dma source(%dma_start3A_25 : memref<1000000x64xf32, #tpu.memory_space<hbm>>) target(%dma_start3A_19 : memref<200x64xf32, #tpu.memory_space<vmem>>) offsets(%dma_start3A_22 : memref<200xi32, #tpu.memory_space<vmem>>) semaphore(%arg10 : memref<!tpu.dma_semaphore, #tpu.memory_space<semaphore_mem>>)
    %dma_start3A_26 = arith.constant 2 : i32
    %dma_start3A_27 = arith.constant 2 : i32
    %dma_start3A_28 = arith.constant 0 : i32
    %dma_start3A_29 = arith.constant 0 : i32
    %dma_start3A_30 = tpu.memref_slice %arg8[%dma_start3A_27, %dma_start3A_28, %dma_start3A_29] : memref<4x200x64xf32, #tpu.memory_space<vmem>> -> memref<1x200x64xf32, #tpu.memory_space<vmem>>
    %dma_start3A_31 = tpu.memref_squeeze %dma_start3A_30 : memref<1x200x64xf32, #tpu.memory_space<vmem>> -> memref<200x64xf32, #tpu.memory_space<vmem>>
    %dma_start3A_32 = arith.constant 0 : i32
    %dma_start3A_33 = tpu.memref_slice %arg6[%dma_start3A_26, %dma_start3A_32] : memref<32x200xi32, #tpu.memory_space<vmem>> -> memref<1x200xi32, #tpu.memory_space<vmem>>
    %dma_start3A_34 = tpu.memref_squeeze %dma_start3A_33 : memref<1x200xi32, #tpu.memory_space<vmem>> -> memref<200xi32, #tpu.memory_space<vmem>>
    %dma_start3A_35 = arith.constant 0 : i32
    %dma_start3A_36 = arith.constant 0 : i32
    %dma_start3A_37 = tpu.memref_slice %arg3[%dma_start3A_35, %dma_start3A_36] : memref<1000000x64xf32, #tpu.memory_space<hbm>> -> memref<1000000x64xf32, #tpu.memory_space<hbm>>
    tpu.enqueue_indirect_dma source(%dma_start3A_37 : memref<1000000x64xf32, #tpu.memory_space<hbm>>) target(%dma_start3A_31 : memref<200x64xf32, #tpu.memory_space<vmem>>) offsets(%dma_start3A_34 : memref<200xi32, #tpu.memory_space<vmem>>) semaphore(%arg11 : memref<!tpu.dma_semaphore, #tpu.memory_space<semaphore_mem>>)
    %scan3A = arith.constant 0 : i32
    %scan3A_38 = arith.constant 8 : i32
    %scan3A_39 = arith.addi %scan3A, %scan3A_38 : i32
    %scan3A_40 = arith.constant 1 : i32
    scf.for %scan3A_109 = %scan3A to %scan3A_39 step %scan3A_40  : i32 {
      %mul3A_110 = arith.constant 4 : i32
      %mul3A_111 = arith.muli %scan3A_109, %mul3A_110 : i32
      %add3A_112 = arith.constant 0 : i32
      %add3A_113 = arith.addi %add3A_112, %mul3A_111 : i32
      %add3A_114 = arith.constant 0 : i32
      %add3A_115 = arith.addi %add3A_113, %add3A_114 : i32
      %dma_wait3A_116 = arith.constant 0 : i32
      %dma_wait3A_117 = arith.constant 0 : i32
      %dma_wait3A_118 = arith.constant 0 : i32
      %dma_wait3A_119 = tpu.memref_slice %arg8[%dma_wait3A_116, %dma_wait3A_117, %dma_wait3A_118] : memref<4x200x64xf32, #tpu.memory_space<vmem>> -> memref<1x200x64xf32, #tpu.memory_space<vmem>>
      %dma_wait3A_120 = tpu.memref_squeeze %dma_wait3A_119 : memref<1x200x64xf32, #tpu.memory_space<vmem>> -> memref<200x64xf32, #tpu.memory_space<vmem>>
      %dma_wait3A_121 = arith.constant 0 : i32
      %dma_wait3A_122 = arith.constant 0 : i32
      %dma_wait3A_123 = tpu.memref_slice %arg5[%mul3A_2, %dma_wait3A_121, %dma_wait3A_122] : memref<1024x200x64xf32, #tpu.memory_space<hbm>> -> memref<1x200x64xf32, #tpu.memory_space<hbm>>
      %dma_wait3A_124 = tpu.memref_squeeze %dma_wait3A_123 : memref<1x200x64xf32, #tpu.memory_space<hbm>> -> memref<200x64xf32, #tpu.memory_space<hbm>>
      %dma_wait3A_125 = arith.constant 0 : i32
      %dma_wait3A_126 = arith.constant 0 : i32
      %dma_wait3A_127 = tpu.memref_slice %arg8[%dma_wait3A_116, %dma_wait3A_125, %dma_wait3A_126] : memref<4x200x64xf32, #tpu.memory_space<vmem>> -> memref<1x200x64xf32, #tpu.memory_space<vmem>>
      %dma_wait3A_128 = tpu.memref_squeeze %dma_wait3A_127 : memref<1x200x64xf32, #tpu.memory_space<vmem>> -> memref<200x64xf32, #tpu.memory_space<vmem>>
      %dma_wait3A_129 = arith.constant 0 : i32
      %dma_wait3A_130 = arith.constant 0 : i32
      %dma_wait3A_131 = tpu.memref_slice %arg5[%mul3A_2, %dma_wait3A_129, %dma_wait3A_130] : memref<1024x200x64xf32, #tpu.memory_space<hbm>> -> memref<1x200x64xf32, #tpu.memory_space<hbm>>
      %dma_wait3A_132 = tpu.memref_squeeze %dma_wait3A_131 : memref<1x200x64xf32, #tpu.memory_space<hbm>> -> memref<200x64xf32, #tpu.memory_space<hbm>>
      tpu.wait_dma2 semaphore(%arg9 : memref<!tpu.dma_semaphore, #tpu.memory_space<semaphore_mem>>) src(%dma_wait3A_132 : memref<200x64xf32, #tpu.memory_space<hbm>>) dst(%dma_wait3A_128 : memref<200x64xf32, #tpu.memory_space<vmem>>)
      %parallel_loop3A = arith.constant 0 : i32
      %parallel_loop3A_133 = arith.constant 200 : i32
      %parallel_loop3A_134 = arith.constant 1 : i32
      scf.for %parallel_loop3A_305 = %parallel_loop3A to %parallel_loop3A_133 step %parallel_loop3A_134  : i32 {
        %parallel_loop3A_306 = arith.constant 0 : i32
        %parallel_loop3A_307 = arith.index_cast %parallel_loop3A_306 : i32 to index
        %parallel_loop3A_308 = arith.index_cast %parallel_loop3A_305 : i32 to index
        %parallel_loop3A_309 = arith.constant 0 : index
        %parallel_loop3A_310 = tpu.vector_load %arg8[%parallel_loop3A_307, %parallel_loop3A_308, %parallel_loop3A_309] {strides = array<i32>} : memref<4x200x64xf32, #tpu.memory_space<vmem>>, vector<1x1x16xf32>,
        %parallel_loop3A_311 = vector.shape_cast %parallel_loop3A_310 : vector<1x1x16xf32> to vector<16xf32>
        %parallel_loop3A_312 = arith.constant 8.000000e+00 : f32
        %parallel_loop3A_313 = vector.broadcast %parallel_loop3A_312 : f32 to vector<16xf32>
        %parallel_loop3A_314 = arith.mulf %parallel_loop3A_311, %parallel_loop3A_313 : vector<16xf32>
        %parallel_loop3A_315 = arith.index_cast %parallel_loop3A_305 : i32 to index
        %parallel_loop3A_316 = arith.constant 0 : index
        %parallel_loop3A_317 = tpu.vector_load %arg7[%parallel_loop3A_315, %parallel_loop3A_316] {strides = array<i32>} : memref<200x64xf32, #tpu.memory_space<vmem>>, vector<1x16xf32>,
        %parallel_loop3A_318 = vector.shape_cast %parallel_loop3A_317 : vector<1x16xf32> to vector<16xf32>
        %parallel_loop3A_319 = arith.addf %parallel_loop3A_314, %parallel_loop3A_318 : vector<16xf32>
        %parallel_loop3A_320 = arith.constant 0 : i32
        %parallel_loop3A_321 = arith.index_cast %parallel_loop3A_320 : i32 to index
        %parallel_loop3A_322 = arith.index_cast %parallel_loop3A_305 : i32 to index
        %parallel_loop3A_323 = arith.constant 0 : index
        %parallel_loop3A_324 = tpu.vector_load %arg8[%parallel_loop3A_321, %parallel_loop3A_322, %parallel_loop3A_323] {strides = array<i32>} : memref<4x200x64xf32, #tpu.memory_space<vmem>>, vector<1x1x16xf32>,
        %parallel_loop3A_325 = vector.shape_cast %parallel_loop3A_324 : vector<1x1x16xf32> to vector<16xf32>
        %parallel_loop3A_326 = vector.shape_cast %parallel_loop3A_319 : vector<16xf32> to vector<1x1x16xf32>
        tpu.vector_store %arg8[%parallel_loop3A_321, %parallel_loop3A_322, %parallel_loop3A_323], %parallel_loop3A_326 {strides = array<i32>} : memref<4x200x64xf32, #tpu.memory_space<vmem>>, vector<1x1x16xf32>,
        %parallel_loop3A_327 = arith.constant 0 : i32
        %parallel_loop3A_328 = arith.index_cast %parallel_loop3A_327 : i32 to index
        %parallel_loop3A_329 = arith.index_cast %parallel_loop3A_305 : i32 to index
        %parallel_loop3A_330 = arith.constant 16 : index
        %parallel_loop3A_331 = tpu.vector_load %arg8[%parallel_loop3A_328, %parallel_loop3A_329, %parallel_loop3A_330] {strides = array<i32>} : memref<4x200x64xf32, #tpu.memory_space<vmem>>, vector<1x1x16xf32>,
        %parallel_loop3A_332 = vector.shape_cast %parallel_loop3A_331 : vector<1x1x16xf32> to vector<16xf32>
        %parallel_loop3A_333 = arith.constant 8.000000e+00 : f32
        %parallel_loop3A_334 = vector.broadcast %parallel_loop3A_333 : f32 to vector<16xf32>
        %parallel_loop3A_335 = arith.mulf %parallel_loop3A_332, %parallel_loop3A_334 : vector<16xf32>
        %parallel_loop3A_336 = arith.index_cast %parallel_loop3A_305 : i32 to index
        %parallel_loop3A_337 = arith.constant 16 : index
        %parallel_loop3A_338 = tpu.vector_load %arg7[%parallel_loop3A_336, %parallel_loop3A_337] {strides = array<i32>} : memref<200x64xf32, #tpu.memory_space<vmem>>, vector<1x16xf32>,
        %parallel_loop3A_339 = vector.shape_cast %parallel_loop3A_338 : vector<1x16xf32> to vector<16xf32>
        %parallel_loop3A_340 = arith.addf %parallel_loop3A_335, %parallel_loop3A_339 : vector<16xf32>
        %parallel_loop3A_341 = arith.constant 0 : i32
        %parallel_loop3A_342 = arith.index_cast %parallel_loop3A_341 : i32 to index
        %parallel_loop3A_343 = arith.index_cast %parallel_loop3A_305 : i32 to index
        %parallel_loop3A_344 = arith.constant 16 : index
        %parallel_loop3A_345 = tpu.vector_load %arg8[%parallel_loop3A_342, %parallel_loop3A_343, %parallel_loop3A_344] {strides = array<i32>} : memref<4x200x64xf32, #tpu.memory_space<vmem>>, vector<1x1x16xf32>,
        %parallel_loop3A_346 = vector.shape_cast %parallel_loop3A_345 : vector<1x1x16xf32> to vector<16xf32>
        %parallel_loop3A_347 = vector.shape_cast %parallel_loop3A_340 : vector<16xf32> to vector<1x1x16xf32>
        tpu.vector_store %arg8[%parallel_loop3A_342, %parallel_loop3A_343, %parallel_loop3A_344], %parallel_loop3A_347 {strides = array<i32>} : memref<4x200x64xf32, #tpu.memory_space<vmem>>, vector<1x1x16xf32>,
        %parallel_loop3A_348 = arith.constant 0 : i32
        %parallel_loop3A_349 = arith.index_cast %parallel_loop3A_348 : i32 to index
        %parallel_loop3A_350 = arith.index_cast %parallel_loop3A_305 : i32 to index
        %parallel_loop3A_351 = arith.constant 32 : index
        %parallel_loop3A_352 = tpu.vector_load %arg8[%parallel_loop3A_349, %parallel_loop3A_350, %parallel_loop3A_351] {strides = array<i32>} : memref<4x200x64xf32, #tpu.memory_space<vmem>>, vector<1x1x16xf32>,
        %parallel_loop3A_353 = vector.shape_cast %parallel_loop3A_352 : vector<1x1x16xf32> to vector<16xf32>
        %parallel_loop3A_354 = arith.constant 8.000000e+00 : f32
        %parallel_loop3A_355 = vector.broadcast %parallel_loop3A_354 : f32 to vector<16xf32>
        %parallel_loop3A_356 = arith.mulf %parallel_loop3A_353, %parallel_loop3A_355 : vector<16xf32>
        %parallel_loop3A_357 = arith.index_cast %parallel_loop3A_305 : i32 to index
        %parallel_loop3A_358 = arith.constant 32 : index
        %parallel_loop3A_359 = tpu.vector_load %arg7[%parallel_loop3A_357, %parallel_loop3A_358] {strides = array<i32>} : memref<200x64xf32, #tpu.memory_space<vmem>>, vector<1x16xf32>,
        %parallel_loop3A_360 = vector.shape_cast %parallel_loop3A_359 : vector<1x16xf32> to vector<16xf32>
        %parallel_loop3A_361 = arith.addf %parallel_loop3A_356, %parallel_loop3A_360 : vector<16xf32>
        %parallel_loop3A_362 = arith.constant 0 : i32
        %parallel_loop3A_363 = arith.index_cast %parallel_loop3A_362 : i32 to index
        %parallel_loop3A_364 = arith.index_cast %parallel_loop3A_305 : i32 to index
        %parallel_loop3A_365 = arith.constant 32 : index
        %parallel_loop3A_366 = tpu.vector_load %arg8[%parallel_loop3A_363, %parallel_loop3A_364, %parallel_loop3A_365] {strides = array<i32>} : memref<4x200x64xf32, #tpu.memory_space<vmem>>, vector<1x1x16xf32>,
        %parallel_loop3A_367 = vector.shape_cast %parallel_loop3A_366 : vector<1x1x16xf32> to vector<16xf32>
        %parallel_loop3A_368 = vector.shape_cast %parallel_loop3A_361 : vector<16xf32> to vector<1x1x16xf32>
        tpu.vector_store %arg8[%parallel_loop3A_363, %parallel_loop3A_364, %parallel_loop3A_365], %parallel_loop3A_368 {strides = array<i32>} : memref<4x200x64xf32, #tpu.memory_space<vmem>>, vector<1x1x16xf32>,
        %parallel_loop3A_369 = arith.constant 0 : i32
        %parallel_loop3A_370 = arith.index_cast %parallel_loop3A_369 : i32 to index
        %parallel_loop3A_371 = arith.index_cast %parallel_loop3A_305 : i32 to index
        %parallel_loop3A_372 = arith.constant 48 : index
        %parallel_loop3A_373 = tpu.vector_load %arg8[%parallel_loop3A_370, %parallel_loop3A_371, %parallel_loop3A_372] {strides = array<i32>} : memref<4x200x64xf32, #tpu.memory_space<vmem>>, vector<1x1x16xf32>,
        %parallel_loop3A_374 = vector.shape_cast %parallel_loop3A_373 : vector<1x1x16xf32> to vector<16xf32>
        %parallel_loop3A_375 = arith.constant 8.000000e+00 : f32
        %parallel_loop3A_376 = vector.broadcast %parallel_loop3A_375 : f32 to vector<16xf32>
        %parallel_loop3A_377 = arith.mulf %parallel_loop3A_374, %parallel_loop3A_376 : vector<16xf32>
        %parallel_loop3A_378 = arith.index_cast %parallel_loop3A_305 : i32 to index
        %parallel_loop3A_379 = arith.constant 48 : index
        %parallel_loop3A_380 = tpu.vector_load %arg7[%parallel_loop3A_378, %parallel_loop3A_379] {strides = array<i32>} : memref<200x64xf32, #tpu.memory_space<vmem>>, vector<1x16xf32>,
        %parallel_loop3A_381 = vector.shape_cast %parallel_loop3A_380 : vector<1x16xf32> to vector<16xf32>
        %parallel_loop3A_382 = arith.addf %parallel_loop3A_377, %parallel_loop3A_381 : vector<16xf32>
        %parallel_loop3A_383 = arith.constant 0 : i32
        %parallel_loop3A_384 = arith.index_cast %parallel_loop3A_383 : i32 to index
        %parallel_loop3A_385 = arith.index_cast %parallel_loop3A_305 : i32 to index
        %parallel_loop3A_386 = arith.constant 48 : index
        %parallel_loop3A_387 = tpu.vector_load %arg8[%parallel_loop3A_384, %parallel_loop3A_385, %parallel_loop3A_386] {strides = array<i32>} : memref<4x200x64xf32, #tpu.memory_space<vmem>>, vector<1x1x16xf32>,
        %parallel_loop3A_388 = vector.shape_cast %parallel_loop3A_387 : vector<1x1x16xf32> to vector<16xf32>
        %parallel_loop3A_389 = vector.shape_cast %parallel_loop3A_382 : vector<16xf32> to vector<1x1x16xf32>
        tpu.vector_store %arg8[%parallel_loop3A_384, %parallel_loop3A_385, %parallel_loop3A_386], %parallel_loop3A_389 {strides = array<i32>} : memref<4x200x64xf32, #tpu.memory_space<vmem>>, vector<1x1x16xf32>,
      } {sc.loop_unroll_factor = 2 : i64, sc.parallel_access}
      %add3A_135 = arith.addi %mul3A_2, %add3A_115 : i32
      %dma_start3A_136 = arith.constant 0 : i32
      %dma_start3A_137 = arith.constant 0 : i32
      %dma_start3A_138 = arith.constant 0 : i32
      %dma_start3A_139 = tpu.memref_slice %arg8[%dma_start3A_136, %dma_start3A_137, %dma_start3A_138] : memref<4x200x64xf32, #tpu.memory_space<vmem>> -> memref<1x200x64xf32, #tpu.memory_space<vmem>>
      %dma_start3A_140 = tpu.memref_squeeze %dma_start3A_139 : memref<1x200x64xf32, #tpu.memory_space<vmem>> -> memref<200x64xf32, #tpu.memory_space<vmem>>
      %dma_start3A_141 = arith.constant 0 : i32
      %dma_start3A_142 = arith.constant 0 : i32
      %dma_start3A_143 = tpu.memref_slice %arg5[%add3A_135, %dma_start3A_141, %dma_start3A_142] : memref<1024x200x64xf32, #tpu.memory_space<hbm>> -> memref<1x200x64xf32, #tpu.memory_space<hbm>>
      %dma_start3A_144 = tpu.memref_squeeze %dma_start3A_143 : memref<1x200x64xf32, #tpu.memory_space<hbm>> -> memref<200x64xf32, #tpu.memory_space<hbm>>
      %dma_start3A_145 = arith.constant 0 : i32
      %dma_start3A_146 = arith.constant 0 : i32
      %dma_start3A_147 = tpu.memref_slice %arg5[%add3A_135, %dma_start3A_145, %dma_start3A_146] : memref<1024x200x64xf32, #tpu.memory_space<hbm>> -> memref<1x200x64xf32, #tpu.memory_space<hbm>>
      %dma_start3A_148 = tpu.memref_squeeze %dma_start3A_147 : memref<1x200x64xf32, #tpu.memory_space<hbm>> -> memref<200x64xf32, #tpu.memory_space<hbm>>
      %dma_start3A_149 = arith.constant 0 : i32
      %dma_start3A_150 = arith.constant 0 : i32
      %dma_start3A_151 = tpu.memref_slice %arg8[%dma_start3A_136, %dma_start3A_149, %dma_start3A_150] : memref<4x200x64xf32, #tpu.memory_space<vmem>> -> memref<1x200x64xf32, #tpu.memory_space<vmem>>
      %dma_start3A_152 = tpu.memref_squeeze %dma_start3A_151 : memref<1x200x64xf32, #tpu.memory_space<vmem>> -> memref<200x64xf32, #tpu.memory_space<vmem>>
      tpu.enqueue_dma source(%dma_start3A_152 : memref<200x64xf32, #tpu.memory_space<vmem>>) target(%dma_start3A_148 : memref<200x64xf32, #tpu.memory_space<hbm>>) target_semaphore(%arg13 : memref<!tpu.dma_semaphore, #tpu.memory_space<semaphore_mem>>)
      %add3A_153 = arith.constant 4 : i32
      %add3A_154 = arith.addi %add3A_115, %add3A_153 : i32
      %sub3A = arith.constant 1 : i32
      %sub3A_155 = arith.subi %add3A_154, %sub3A : i32
      %lt3A = arith.constant 32 : i32
      %lt3A_156 = arith.cmpi slt, %sub3A_155, %lt3A : i32
      %convert_element_type3A = arith.extui %lt3A_156 : i1 to i32
      %cond3A = arith.constant 0 : i32
      %cond3A_157 = arith.cmpi ne, %convert_element_type3A, %cond3A : i32
      scf.if %cond3A_157 {
        %ge3A = arith.constant 4 : i32
        %ge3A_305 = arith.cmpi sge, %sub3A_155, %ge3A : i32
        %convert_element_type3A_306 = arith.extui %ge3A_305 : i1 to i32
        %cond3A_307 = arith.constant 0 : i32
        %cond3A_308 = arith.cmpi ne, %convert_element_type3A_306, %cond3A_307 : i32
        scf.if %cond3A_308 {
          %dma_wait3A_320 = arith.constant 3 : i32
          %dma_wait3A_321 = arith.constant 0 : i32
          %dma_wait3A_322 = arith.constant 0 : i32
          %dma_wait3A_323 = tpu.memref_slice %arg8[%dma_wait3A_320, %dma_wait3A_321, %dma_wait3A_322] : memref<4x200x64xf32, #tpu.memory_space<vmem>> -> memref<1x200x64xf32, #tpu.memory_space<vmem>>
          %dma_wait3A_324 = tpu.memref_squeeze %dma_wait3A_323 : memref<1x200x64xf32, #tpu.memory_space<vmem>> -> memref<200x64xf32, #tpu.memory_space<vmem>>
          %dma_wait3A_325 = arith.constant 0 : i32
          %dma_wait3A_326 = arith.constant 0 : i32
          %dma_wait3A_327 = tpu.memref_slice %arg5[%mul3A_2, %dma_wait3A_325, %dma_wait3A_326] : memref<1024x200x64xf32, #tpu.memory_space<hbm>> -> memref<1x200x64xf32, #tpu.memory_space<hbm>>
          %dma_wait3A_328 = tpu.memref_squeeze %dma_wait3A_327 : memref<1x200x64xf32, #tpu.memory_space<hbm>> -> memref<200x64xf32, #tpu.memory_space<hbm>>
          %dma_wait3A_329 = arith.constant 0 : i32
          %dma_wait3A_330 = arith.constant 0 : i32
          %dma_wait3A_331 = tpu.memref_slice %arg5[%mul3A_2, %dma_wait3A_329, %dma_wait3A_330] : memref<1024x200x64xf32, #tpu.memory_space<hbm>> -> memref<1x200x64xf32, #tpu.memory_space<hbm>>
          %dma_wait3A_332 = tpu.memref_squeeze %dma_wait3A_331 : memref<1x200x64xf32, #tpu.memory_space<hbm>> -> memref<200x64xf32, #tpu.memory_space<hbm>>
          %dma_wait3A_333 = arith.constant 0 : i32
          %dma_wait3A_334 = arith.constant 0 : i32
          %dma_wait3A_335 = tpu.memref_slice %arg8[%dma_wait3A_320, %dma_wait3A_333, %dma_wait3A_334] : memref<4x200x64xf32, #tpu.memory_space<vmem>> -> memref<1x200x64xf32, #tpu.memory_space<vmem>>
          %dma_wait3A_336 = tpu.memref_squeeze %dma_wait3A_335 : memref<1x200x64xf32, #tpu.memory_space<vmem>> -> memref<200x64xf32, #tpu.memory_space<vmem>>
          tpu.wait_dma2 semaphore(%arg16 : memref<!tpu.dma_semaphore, #tpu.memory_space<semaphore_mem>>) src(%dma_wait3A_336 : memref<200x64xf32, #tpu.memory_space<vmem>>) dst(%dma_wait3A_332 : memref<200x64xf32, #tpu.memory_space<hbm>>)
        } else {
        }
        %dma_start3A_309 = arith.constant 3 : i32
        %dma_start3A_310 = arith.constant 0 : i32
        %dma_start3A_311 = arith.constant 0 : i32
        %dma_start3A_312 = tpu.memref_slice %arg8[%dma_start3A_309, %dma_start3A_310, %dma_start3A_311] : memref<4x200x64xf32, #tpu.memory_space<vmem>> -> memref<1x200x64xf32, #tpu.memory_space<vmem>>
        %dma_start3A_313 = tpu.memref_squeeze %dma_start3A_312 : memref<1x200x64xf32, #tpu.memory_space<vmem>> -> memref<200x64xf32, #tpu.memory_space<vmem>>
        %dma_start3A_314 = arith.constant 0 : i32
        %dma_start3A_315 = tpu.memref_slice %arg6[%sub3A_155, %dma_start3A_314] : memref<32x200xi32, #tpu.memory_space<vmem>> -> memref<1x200xi32, #tpu.memory_space<vmem>>
        %dma_start3A_316 = tpu.memref_squeeze %dma_start3A_315 : memref<1x200xi32, #tpu.memory_space<vmem>> -> memref<200xi32, #tpu.memory_space<vmem>>
        %dma_start3A_317 = arith.constant 0 : i32
        %dma_start3A_318 = arith.constant 0 : i32
        %dma_start3A_319 = tpu.memref_slice %arg3[%dma_start3A_317, %dma_start3A_318] : memref<1000000x64xf32, #tpu.memory_space<hbm>> -> memref<1000000x64xf32, #tpu.memory_space<hbm>>
        tpu.enqueue_indirect_dma source(%dma_start3A_319 : memref<1000000x64xf32, #tpu.memory_space<hbm>>) target(%dma_start3A_313 : memref<200x64xf32, #tpu.memory_space<vmem>>) offsets(%dma_start3A_316 : memref<200xi32, #tpu.memory_space<vmem>>) semaphore(%arg12 : memref<!tpu.dma_semaphore, #tpu.memory_space<semaphore_mem>>)
      } else {
      }
      %add3A_158 = arith.constant 1 : i32
      %add3A_159 = arith.addi %add3A_113, %add3A_158 : i32
      %dma_wait3A_160 = arith.constant 1 : i32
      %dma_wait3A_161 = arith.constant 0 : i32
      %dma_wait3A_162 = arith.constant 0 : i32
      %dma_wait3A_163 = tpu.memref_slice %arg8[%dma_wait3A_160, %dma_wait3A_161, %dma_wait3A_162] : memref<4x200x64xf32, #tpu.memory_space<vmem>> -> memref<1x200x64xf32, #tpu.memory_space<vmem>>
      %dma_wait3A_164 = tpu.memref_squeeze %dma_wait3A_163 : memref<1x200x64xf32, #tpu.memory_space<vmem>> -> memref<200x64xf32, #tpu.memory_space<vmem>>
      %dma_wait3A_165 = arith.constant 0 : i32
      %dma_wait3A_166 = arith.constant 0 : i32
      %dma_wait3A_167 = tpu.memref_slice %arg5[%mul3A_2, %dma_wait3A_165, %dma_wait3A_166] : memref<1024x200x64xf32, #tpu.memory_space<hbm>> -> memref<1x200x64xf32, #tpu.memory_space<hbm>>
      %dma_wait3A_168 = tpu.memref_squeeze %dma_wait3A_167 : memref<1x200x64xf32, #tpu.memory_space<hbm>> -> memref<200x64xf32, #tpu.memory_space<hbm>>
      %dma_wait3A_169 = arith.constant 0 : i32
      %dma_wait3A_170 = arith.constant 0 : i32
      %dma_wait3A_171 = tpu.memref_slice %arg8[%dma_wait3A_160, %dma_wait3A_169, %dma_wait3A_170] : memref<4x200x64xf32, #tpu.memory_space<vmem>> -> memref<1x200x64xf32, #tpu.memory_space<vmem>>
      %dma_wait3A_172 = tpu.memref_squeeze %dma_wait3A_171 : memref<1x200x64xf32, #tpu.memory_space<vmem>> -> memref<200x64xf32, #tpu.memory_space<vmem>>
      %dma_wait3A_173 = arith.constant 0 : i32
      %dma_wait3A_174 = arith.constant 0 : i32
      %dma_wait3A_175 = tpu.memref_slice %arg5[%mul3A_2, %dma_wait3A_173, %dma_wait3A_174] : memref<1024x200x64xf32, #tpu.memory_space<hbm>> -> memref<1x200x64xf32, #tpu.memory_space<hbm>>
      %dma_wait3A_176 = tpu.memref_squeeze %dma_wait3A_175 : memref<1x200x64xf32, #tpu.memory_space<hbm>> -> memref<200x64xf32, #tpu.memory_space<hbm>>
      tpu.wait_dma2 semaphore(%arg10 : memref<!tpu.dma_semaphore, #tpu.memory_space<semaphore_mem>>) src(%dma_wait3A_176 : memref<200x64xf32, #tpu.memory_space<hbm>>) dst(%dma_wait3A_172 : memref<200x64xf32, #tpu.memory_space<vmem>>)
      %parallel_loop3A_177 = arith.constant 0 : i32
      %parallel_loop3A_178 = arith.constant 200 : i32
      %parallel_loop3A_179 = arith.constant 1 : i32
      scf.for %parallel_loop3A_305 = %parallel_loop3A_177 to %parallel_loop3A_178 step %parallel_loop3A_179  : i32 {
        %parallel_loop3A_306 = arith.constant 1 : i32
        %parallel_loop3A_307 = arith.index_cast %parallel_loop3A_306 : i32 to index
        %parallel_loop3A_308 = arith.index_cast %parallel_loop3A_305 : i32 to index
        %parallel_loop3A_309 = arith.constant 0 : index
        %parallel_loop3A_310 = tpu.vector_load %arg8[%parallel_loop3A_307, %parallel_loop3A_308, %parallel_loop3A_309] {strides = array<i32>} : memref<4x200x64xf32, #tpu.memory_space<vmem>>, vector<1x1x16xf32>,
        %parallel_loop3A_311 = vector.shape_cast %parallel_loop3A_310 : vector<1x1x16xf32> to vector<16xf32>
        %parallel_loop3A_312 = arith.constant 8.000000e+00 : f32
        %parallel_loop3A_313 = vector.broadcast %parallel_loop3A_312 : f32 to vector<16xf32>
        %parallel_loop3A_314 = arith.mulf %parallel_loop3A_311, %parallel_loop3A_313 : vector<16xf32>
        %parallel_loop3A_315 = arith.index_cast %parallel_loop3A_305 : i32 to index
        %parallel_loop3A_316 = arith.constant 0 : index
        %parallel_loop3A_317 = tpu.vector_load %arg7[%parallel_loop3A_315, %parallel_loop3A_316] {strides = array<i32>} : memref<200x64xf32, #tpu.memory_space<vmem>>, vector<1x16xf32>,
        %parallel_loop3A_318 = vector.shape_cast %parallel_loop3A_317 : vector<1x16xf32> to vector<16xf32>
        %parallel_loop3A_319 = arith.addf %parallel_loop3A_314, %parallel_loop3A_318 : vector<16xf32>
        %parallel_loop3A_320 = arith.constant 1 : i32
        %parallel_loop3A_321 = arith.index_cast %parallel_loop3A_320 : i32 to index
        %parallel_loop3A_322 = arith.index_cast %parallel_loop3A_305 : i32 to index
        %parallel_loop3A_323 = arith.constant 0 : index
        %parallel_loop3A_324 = tpu.vector_load %arg8[%parallel_loop3A_321, %parallel_loop3A_322, %parallel_loop3A_323] {strides = array<i32>} : memref<4x200x64xf32, #tpu.memory_space<vmem>>, vector<1x1x16xf32>,
        %parallel_loop3A_325 = vector.shape_cast %parallel_loop3A_324 : vector<1x1x16xf32> to vector<16xf32>
        %parallel_loop3A_326 = vector.shape_cast %parallel_loop3A_319 : vector<16xf32> to vector<1x1x16xf32>
        tpu.vector_store %arg8[%parallel_loop3A_321, %parallel_loop3A_322, %parallel_loop3A_323], %parallel_loop3A_326 {strides = array<i32>} : memref<4x200x64xf32, #tpu.memory_space<vmem>>, vector<1x1x16xf32>,
        %parallel_loop3A_327 = arith.constant 1 : i32
        %parallel_loop3A_328 = arith.index_cast %parallel_loop3A_327 : i32 to index
        %parallel_loop3A_329 = arith.index_cast %parallel_loop3A_305 : i32 to index
        %parallel_loop3A_330 = arith.constant 16 : index
        %parallel_loop3A_331 = tpu.vector_load %arg8[%parallel_loop3A_328, %parallel_loop3A_329, %parallel_loop3A_330] {strides = array<i32>} : memref<4x200x64xf32, #tpu.memory_space<vmem>>, vector<1x1x16xf32>,
        %parallel_loop3A_332 = vector.shape_cast %parallel_loop3A_331 : vector<1x1x16xf32> to vector<16xf32>
        %parallel_loop3A_333 = arith.constant 8.000000e+00 : f32
        %parallel_loop3A_334 = vector.broadcast %parallel_loop3A_333 : f32 to vector<16xf32>
        %parallel_loop3A_335 = arith.mulf %parallel_loop3A_332, %parallel_loop3A_334 : vector<16xf32>
        %parallel_loop3A_336 = arith.index_cast %parallel_loop3A_305 : i32 to index
        %parallel_loop3A_337 = arith.constant 16 : index
        %parallel_loop3A_338 = tpu.vector_load %arg7[%parallel_loop3A_336, %parallel_loop3A_337] {strides = array<i32>} : memref<200x64xf32, #tpu.memory_space<vmem>>, vector<1x16xf32>,
        %parallel_loop3A_339 = vector.shape_cast %parallel_loop3A_338 : vector<1x16xf32> to vector<16xf32>
        %parallel_loop3A_340 = arith.addf %parallel_loop3A_335, %parallel_loop3A_339 : vector<16xf32>
        %parallel_loop3A_341 = arith.constant 1 : i32
        %parallel_loop3A_342 = arith.index_cast %parallel_loop3A_341 : i32 to index
        %parallel_loop3A_343 = arith.index_cast %parallel_loop3A_305 : i32 to index
        %parallel_loop3A_344 = arith.constant 16 : index
        %parallel_loop3A_345 = tpu.vector_load %arg8[%parallel_loop3A_342, %parallel_loop3A_343, %parallel_loop3A_344] {strides = array<i32>} : memref<4x200x64xf32, #tpu.memory_space<vmem>>, vector<1x1x16xf32>,
        %parallel_loop3A_346 = vector.shape_cast %parallel_loop3A_345 : vector<1x1x16xf32> to vector<16xf32>
        %parallel_loop3A_347 = vector.shape_cast %parallel_loop3A_340 : vector<16xf32> to vector<1x1x16xf32>
        tpu.vector_store %arg8[%parallel_loop3A_342, %parallel_loop3A_343, %parallel_loop3A_344], %parallel_loop3A_347 {strides = array<i32>} : memref<4x200x64xf32, #tpu.memory_space<vmem>>, vector<1x1x16xf32>,
        %parallel_loop3A_348 = arith.constant 1 : i32
        %parallel_loop3A_349 = arith.index_cast %parallel_loop3A_348 : i32 to index
        %parallel_loop3A_350 = arith.index_cast %parallel_loop3A_305 : i32 to index
        %parallel_loop3A_351 = arith.constant 32 : index
        %parallel_loop3A_352 = tpu.vector_load %arg8[%parallel_loop3A_349, %parallel_loop3A_350, %parallel_loop3A_351] {strides = array<i32>} : memref<4x200x64xf32, #tpu.memory_space<vmem>>, vector<1x1x16xf32>,
        %parallel_loop3A_353 = vector.shape_cast %parallel_loop3A_352 : vector<1x1x16xf32> to vector<16xf32>
        %parallel_loop3A_354 = arith.constant 8.000000e+00 : f32
        %parallel_loop3A_355 = vector.broadcast %parallel_loop3A_354 : f32 to vector<16xf32>
        %parallel_loop3A_356 = arith.mulf %parallel_loop3A_353, %parallel_loop3A_355 : vector<16xf32>
        %parallel_loop3A_357 = arith.index_cast %parallel_loop3A_305 : i32 to index
        %parallel_loop3A_358 = arith.constant 32 : index
        %parallel_loop3A_359 = tpu.vector_load %arg7[%parallel_loop3A_357, %parallel_loop3A_358] {strides = array<i32>} : memref<200x64xf32, #tpu.memory_space<vmem>>, vector<1x16xf32>,
        %parallel_loop3A_360 = vector.shape_cast %parallel_loop3A_359 : vector<1x16xf32> to vector<16xf32>
        %parallel_loop3A_361 = arith.addf %parallel_loop3A_356, %parallel_loop3A_360 : vector<16xf32>
        %parallel_loop3A_362 = arith.constant 1 : i32
        %parallel_loop3A_363 = arith.index_cast %parallel_loop3A_362 : i32 to index
        %parallel_loop3A_364 = arith.index_cast %parallel_loop3A_305 : i32 to index
        %parallel_loop3A_365 = arith.constant 32 : index
        %parallel_loop3A_366 = tpu.vector_load %arg8[%parallel_loop3A_363, %parallel_loop3A_364, %parallel_loop3A_365] {strides = array<i32>} : memref<4x200x64xf32, #tpu.memory_space<vmem>>, vector<1x1x16xf32>,
        %parallel_loop3A_367 = vector.shape_cast %parallel_loop3A_366 : vector<1x1x16xf32> to vector<16xf32>
        %parallel_loop3A_368 = vector.shape_cast %parallel_loop3A_361 : vector<16xf32> to vector<1x1x16xf32>
        tpu.vector_store %arg8[%parallel_loop3A_363, %parallel_loop3A_364, %parallel_loop3A_365], %parallel_loop3A_368 {strides = array<i32>} : memref<4x200x64xf32, #tpu.memory_space<vmem>>, vector<1x1x16xf32>,
        %parallel_loop3A_369 = arith.constant 1 : i32
        %parallel_loop3A_370 = arith.index_cast %parallel_loop3A_369 : i32 to index
        %parallel_loop3A_371 = arith.index_cast %parallel_loop3A_305 : i32 to index
        %parallel_loop3A_372 = arith.constant 48 : index
        %parallel_loop3A_373 = tpu.vector_load %arg8[%parallel_loop3A_370, %parallel_loop3A_371, %parallel_loop3A_372] {strides = array<i32>} : memref<4x200x64xf32, #tpu.memory_space<vmem>>, vector<1x1x16xf32>,
        %parallel_loop3A_374 = vector.shape_cast %parallel_loop3A_373 : vector<1x1x16xf32> to vector<16xf32>
        %parallel_loop3A_375 = arith.constant 8.000000e+00 : f32
        %parallel_loop3A_376 = vector.broadcast %parallel_loop3A_375 : f32 to vector<16xf32>
        %parallel_loop3A_377 = arith.mulf %parallel_loop3A_374, %parallel_loop3A_376 : vector<16xf32>
        %parallel_loop3A_378 = arith.index_cast %parallel_loop3A_305 : i32 to index
        %parallel_loop3A_379 = arith.constant 48 : index
        %parallel_loop3A_380 = tpu.vector_load %arg7[%parallel_loop3A_378, %parallel_loop3A_379] {strides = array<i32>} : memref<200x64xf32, #tpu.memory_space<vmem>>, vector<1x16xf32>,
        %parallel_loop3A_381 = vector.shape_cast %parallel_loop3A_380 : vector<1x16xf32> to vector<16xf32>
        %parallel_loop3A_382 = arith.addf %parallel_loop3A_377, %parallel_loop3A_381 : vector<16xf32>
        %parallel_loop3A_383 = arith.constant 1 : i32
        %parallel_loop3A_384 = arith.index_cast %parallel_loop3A_383 : i32 to index
        %parallel_loop3A_385 = arith.index_cast %parallel_loop3A_305 : i32 to index
        %parallel_loop3A_386 = arith.constant 48 : index
        %parallel_loop3A_387 = tpu.vector_load %arg8[%parallel_loop3A_384, %parallel_loop3A_385, %parallel_loop3A_386] {strides = array<i32>} : memref<4x200x64xf32, #tpu.memory_space<vmem>>, vector<1x1x16xf32>,
        %parallel_loop3A_388 = vector.shape_cast %parallel_loop3A_387 : vector<1x1x16xf32> to vector<16xf32>
        %parallel_loop3A_389 = vector.shape_cast %parallel_loop3A_382 : vector<16xf32> to vector<1x1x16xf32>
        tpu.vector_store %arg8[%parallel_loop3A_384, %parallel_loop3A_385, %parallel_loop3A_386], %parallel_loop3A_389 {strides = array<i32>} : memref<4x200x64xf32, #tpu.memory_space<vmem>>, vector<1x1x16xf32>,
      } {sc.loop_unroll_factor = 2 : i64, sc.parallel_access}
      %add3A_180 = arith.addi %mul3A_2, %add3A_159 : i32
      %dma_start3A_181 = arith.constant 1 : i32
      %dma_start3A_182 = arith.constant 0 : i32
      %dma_start3A_183 = arith.constant 0 : i32
      %dma_start3A_184 = tpu.memref_slice %arg8[%dma_start3A_181, %dma_start3A_182, %dma_start3A_183] : memref<4x200x64xf32, #tpu.memory_space<vmem>> -> memref<1x200x64xf32, #tpu.memory_space<vmem>>
      %dma_start3A_185 = tpu.memref_squeeze %dma_start3A_184 : memref<1x200x64xf32, #tpu.memory_space<vmem>> -> memref<200x64xf32, #tpu.memory_space<vmem>>
      %dma_start3A_186 = arith.constant 0 : i32
      %dma_start3A_187 = arith.constant 0 : i32
      %dma_start3A_188 = tpu.memref_slice %arg5[%add3A_180, %dma_start3A_186, %dma_start3A_187] : memref<1024x200x64xf32, #tpu.memory_space<hbm>> -> memref<1x200x64xf32, #tpu.memory_space<hbm>>
      %dma_start3A_189 = tpu.memref_squeeze %dma_start3A_188 : memref<1x200x64xf32, #tpu.memory_space<hbm>> -> memref<200x64xf32, #tpu.memory_space<hbm>>
      %dma_start3A_190 = arith.constant 0 : i32
      %dma_start3A_191 = arith.constant 0 : i32
      %dma_start3A_192 = tpu.memref_slice %arg5[%add3A_180, %dma_start3A_190, %dma_start3A_191] : memref<1024x200x64xf32, #tpu.memory_space<hbm>> -> memref<1x200x64xf32, #tpu.memory_space<hbm>>
      %dma_start3A_193 = tpu.memref_squeeze %dma_start3A_192 : memref<1x200x64xf32, #tpu.memory_space<hbm>> -> memref<200x64xf32, #tpu.memory_space<hbm>>
      %dma_start3A_194 = arith.constant 0 : i32
      %dma_start3A_195 = arith.constant 0 : i32
      %dma_start3A_196 = tpu.memref_slice %arg8[%dma_start3A_181, %dma_start3A_194, %dma_start3A_195] : memref<4x200x64xf32, #tpu.memory_space<vmem>> -> memref<1x200x64xf32, #tpu.memory_space<vmem>>
      %dma_start3A_197 = tpu.memref_squeeze %dma_start3A_196 : memref<1x200x64xf32, #tpu.memory_space<vmem>> -> memref<200x64xf32, #tpu.memory_space<vmem>>
      tpu.enqueue_dma source(%dma_start3A_197 : memref<200x64xf32, #tpu.memory_space<vmem>>) target(%dma_start3A_193 : memref<200x64xf32, #tpu.memory_space<hbm>>) target_semaphore(%arg14 : memref<!tpu.dma_semaphore, #tpu.memory_space<semaphore_mem>>)
      %add3A_198 = arith.constant 4 : i32
      %add3A_199 = arith.addi %add3A_159, %add3A_198 : i32
      %sub3A_200 = arith.constant 1 : i32
      %sub3A_201 = arith.subi %add3A_199, %sub3A_200 : i32
      %lt3A_202 = arith.constant 32 : i32
      %lt3A_203 = arith.cmpi slt, %sub3A_201, %lt3A_202 : i32
      %convert_element_type3A_204 = arith.extui %lt3A_203 : i1 to i32
      %cond3A_205 = arith.constant 0 : i32
      %cond3A_206 = arith.cmpi ne, %convert_element_type3A_204, %cond3A_205 : i32
      scf.if %cond3A_206 {
        %ge3A = arith.constant 4 : i32
        %ge3A_305 = arith.cmpi sge, %sub3A_201, %ge3A : i32
        %convert_element_type3A_306 = arith.extui %ge3A_305 : i1 to i32
        %cond3A_307 = arith.constant 0 : i32
        %cond3A_308 = arith.cmpi ne, %convert_element_type3A_306, %cond3A_307 : i32
        scf.if %cond3A_308 {
          %dma_wait3A_320 = arith.constant 0 : i32
          %dma_wait3A_321 = arith.constant 0 : i32
          %dma_wait3A_322 = arith.constant 0 : i32
          %dma_wait3A_323 = tpu.memref_slice %arg8[%dma_wait3A_320, %dma_wait3A_321, %dma_wait3A_322] : memref<4x200x64xf32, #tpu.memory_space<vmem>> -> memref<1x200x64xf32, #tpu.memory_space<vmem>>
          %dma_wait3A_324 = tpu.memref_squeeze %dma_wait3A_323 : memref<1x200x64xf32, #tpu.memory_space<vmem>> -> memref<200x64xf32, #tpu.memory_space<vmem>>
          %dma_wait3A_325 = arith.constant 0 : i32
          %dma_wait3A_326 = arith.constant 0 : i32
          %dma_wait3A_327 = tpu.memref_slice %arg5[%mul3A_2, %dma_wait3A_325, %dma_wait3A_326] : memref<1024x200x64xf32, #tpu.memory_space<hbm>> -> memref<1x200x64xf32, #tpu.memory_space<hbm>>
          %dma_wait3A_328 = tpu.memref_squeeze %dma_wait3A_327 : memref<1x200x64xf32, #tpu.memory_space<hbm>> -> memref<200x64xf32, #tpu.memory_space<hbm>>
          %dma_wait3A_329 = arith.constant 0 : i32
          %dma_wait3A_330 = arith.constant 0 : i32
          %dma_wait3A_331 = tpu.memref_slice %arg5[%mul3A_2, %dma_wait3A_329, %dma_wait3A_330] : memref<1024x200x64xf32, #tpu.memory_space<hbm>> -> memref<1x200x64xf32, #tpu.memory_space<hbm>>
          %dma_wait3A_332 = tpu.memref_squeeze %dma_wait3A_331 : memref<1x200x64xf32, #tpu.memory_space<hbm>> -> memref<200x64xf32, #tpu.memory_space<hbm>>
          %dma_wait3A_333 = arith.constant 0 : i32
          %dma_wait3A_334 = arith.constant 0 : i32
          %dma_wait3A_335 = tpu.memref_slice %arg8[%dma_wait3A_320, %dma_wait3A_333, %dma_wait3A_334] : memref<4x200x64xf32, #tpu.memory_space<vmem>> -> memref<1x200x64xf32, #tpu.memory_space<vmem>>
          %dma_wait3A_336 = tpu.memref_squeeze %dma_wait3A_335 : memref<1x200x64xf32, #tpu.memory_space<vmem>> -> memref<200x64xf32, #tpu.memory_space<vmem>>
          tpu.wait_dma2 semaphore(%arg13 : memref<!tpu.dma_semaphore, #tpu.memory_space<semaphore_mem>>) src(%dma_wait3A_336 : memref<200x64xf32, #tpu.memory_space<vmem>>) dst(%dma_wait3A_332 : memref<200x64xf32, #tpu.memory_space<hbm>>)
        } else {
        }
        %dma_start3A_309 = arith.constant 0 : i32
        %dma_start3A_310 = arith.constant 0 : i32
        %dma_start3A_311 = arith.constant 0 : i32
        %dma_start3A_312 = tpu.memref_slice %arg8[%dma_start3A_309, %dma_start3A_310, %dma_start3A_311] : memref<4x200x64xf32, #tpu.memory_space<vmem>> -> memref<1x200x64xf32, #tpu.memory_space<vmem>>
        %dma_start3A_313 = tpu.memref_squeeze %dma_start3A_312 : memref<1x200x64xf32, #tpu.memory_space<vmem>> -> memref<200x64xf32, #tpu.memory_space<vmem>>
        %dma_start3A_314 = arith.constant 0 : i32
        %dma_start3A_315 = tpu.memref_slice %arg6[%sub3A_201, %dma_start3A_314] : memref<32x200xi32, #tpu.memory_space<vmem>> -> memref<1x200xi32, #tpu.memory_space<vmem>>
        %dma_start3A_316 = tpu.memref_squeeze %dma_start3A_315 : memref<1x200xi32, #tpu.memory_space<vmem>> -> memref<200xi32, #tpu.memory_space<vmem>>
        %dma_start3A_317 = arith.constant 0 : i32
        %dma_start3A_318 = arith.constant 0 : i32
        %dma_start3A_319 = tpu.memref_slice %arg3[%dma_start3A_317, %dma_start3A_318] : memref<1000000x64xf32, #tpu.memory_space<hbm>> -> memref<1000000x64xf32, #tpu.memory_space<hbm>>
        tpu.enqueue_indirect_dma source(%dma_start3A_319 : memref<1000000x64xf32, #tpu.memory_space<hbm>>) target(%dma_start3A_313 : memref<200x64xf32, #tpu.memory_space<vmem>>) offsets(%dma_start3A_316 : memref<200xi32, #tpu.memory_space<vmem>>) semaphore(%arg9 : memref<!tpu.dma_semaphore, #tpu.memory_space<semaphore_mem>>)
      } else {
      }
      %add3A_207 = arith.constant 2 : i32
      %add3A_208 = arith.addi %add3A_113, %add3A_207 : i32
      %dma_wait3A_209 = arith.constant 2 : i32
      %dma_wait3A_210 = arith.constant 0 : i32
      %dma_wait3A_211 = arith.constant 0 : i32
      %dma_wait3A_212 = tpu.memref_slice %arg8[%dma_wait3A_209, %dma_wait3A_210, %dma_wait3A_211] : memref<4x200x64xf32, #tpu.memory_space<vmem>> -> memref<1x200x64xf32, #tpu.memory_space<vmem>>
      %dma_wait3A_213 = tpu.memref_squeeze %dma_wait3A_212 : memref<1x200x64xf32, #tpu.memory_space<vmem>> -> memref<200x64xf32, #tpu.memory_space<vmem>>
      %dma_wait3A_214 = arith.constant 0 : i32
      %dma_wait3A_215 = arith.constant 0 : i32
      %dma_wait3A_216 = tpu.memref_slice %arg5[%mul3A_2, %dma_wait3A_214, %dma_wait3A_215] : memref<1024x200x64xf32, #tpu.memory_space<hbm>> -> memref<1x200x64xf32, #tpu.memory_space<hbm>>
      %dma_wait3A_217 = tpu.memref_squeeze %dma_wait3A_216 : memref<1x200x64xf32, #tpu.memory_space<hbm>> -> memref<200x64xf32, #tpu.memory_space<hbm>>
      %dma_wait3A_218 = arith.constant 0 : i32
      %dma_wait3A_219 = arith.constant 0 : i32
      %dma_wait3A_220 = tpu.memref_slice %arg8[%dma_wait3A_209, %dma_wait3A_218, %dma_wait3A_219] : memref<4x200x64xf32, #tpu.memory_space<vmem>> -> memref<1x200x64xf32, #tpu.memory_space<vmem>>
      %dma_wait3A_221 = tpu.memref_squeeze %dma_wait3A_220 : memref<1x200x64xf32, #tpu.memory_space<vmem>> -> memref<200x64xf32, #tpu.memory_space<vmem>>
      %dma_wait3A_222 = arith.constant 0 : i32
      %dma_wait3A_223 = arith.constant 0 : i32
      %dma_wait3A_224 = tpu.memref_slice %arg5[%mul3A_2, %dma_wait3A_222, %dma_wait3A_223] : memref<1024x200x64xf32, #tpu.memory_space<hbm>> -> memref<1x200x64xf32, #tpu.memory_space<hbm>>
      %dma_wait3A_225 = tpu.memref_squeeze %dma_wait3A_224 : memref<1x200x64xf32, #tpu.memory_space<hbm>> -> memref<200x64xf32, #tpu.memory_space<hbm>>
      tpu.wait_dma2 semaphore(%arg11 : memref<!tpu.dma_semaphore, #tpu.memory_space<semaphore_mem>>) src(%dma_wait3A_225 : memref<200x64xf32, #tpu.memory_space<hbm>>) dst(%dma_wait3A_221 : memref<200x64xf32, #tpu.memory_space<vmem>>)
      %parallel_loop3A_226 = arith.constant 0 : i32
      %parallel_loop3A_227 = arith.constant 200 : i32
      %parallel_loop3A_228 = arith.constant 1 : i32
      scf.for %parallel_loop3A_305 = %parallel_loop3A_226 to %parallel_loop3A_227 step %parallel_loop3A_228  : i32 {
        %parallel_loop3A_306 = arith.constant 2 : i32
        %parallel_loop3A_307 = arith.index_cast %parallel_loop3A_306 : i32 to index
        %parallel_loop3A_308 = arith.index_cast %parallel_loop3A_305 : i32 to index
        %parallel_loop3A_309 = arith.constant 0 : index
        %parallel_loop3A_310 = tpu.vector_load %arg8[%parallel_loop3A_307, %parallel_loop3A_308, %parallel_loop3A_309] {strides = array<i32>} : memref<4x200x64xf32, #tpu.memory_space<vmem>>, vector<1x1x16xf32>,
        %parallel_loop3A_311 = vector.shape_cast %parallel_loop3A_310 : vector<1x1x16xf32> to vector<16xf32>
        %parallel_loop3A_312 = arith.constant 8.000000e+00 : f32
        %parallel_loop3A_313 = vector.broadcast %parallel_loop3A_312 : f32 to vector<16xf32>
        %parallel_loop3A_314 = arith.mulf %parallel_loop3A_311, %parallel_loop3A_313 : vector<16xf32>
        %parallel_loop3A_315 = arith.index_cast %parallel_loop3A_305 : i32 to index
        %parallel_loop3A_316 = arith.constant 0 : index
        %parallel_loop3A_317 = tpu.vector_load %arg7[%parallel_loop3A_315, %parallel_loop3A_316] {strides = array<i32>} : memref<200x64xf32, #tpu.memory_space<vmem>>, vector<1x16xf32>,
        %parallel_loop3A_318 = vector.shape_cast %parallel_loop3A_317 : vector<1x16xf32> to vector<16xf32>
        %parallel_loop3A_319 = arith.addf %parallel_loop3A_314, %parallel_loop3A_318 : vector<16xf32>
        %parallel_loop3A_320 = arith.constant 2 : i32
        %parallel_loop3A_321 = arith.index_cast %parallel_loop3A_320 : i32 to index
        %parallel_loop3A_322 = arith.index_cast %parallel_loop3A_305 : i32 to index
        %parallel_loop3A_323 = arith.constant 0 : index
        %parallel_loop3A_324 = tpu.vector_load %arg8[%parallel_loop3A_321, %parallel_loop3A_322, %parallel_loop3A_323] {strides = array<i32>} : memref<4x200x64xf32, #tpu.memory_space<vmem>>, vector<1x1x16xf32>,
        %parallel_loop3A_325 = vector.shape_cast %parallel_loop3A_324 : vector<1x1x16xf32> to vector<16xf32>
        %parallel_loop3A_326 = vector.shape_cast %parallel_loop3A_319 : vector<16xf32> to vector<1x1x16xf32>
        tpu.vector_store %arg8[%parallel_loop3A_321, %parallel_loop3A_322, %parallel_loop3A_323], %parallel_loop3A_326 {strides = array<i32>} : memref<4x200x64xf32, #tpu.memory_space<vmem>>, vector<1x1x16xf32>,
        %parallel_loop3A_327 = arith.constant 2 : i32
        %parallel_loop3A_328 = arith.index_cast %parallel_loop3A_327 : i32 to index
        %parallel_loop3A_329 = arith.index_cast %parallel_loop3A_305 : i32 to index
        %parallel_loop3A_330 = arith.constant 16 : index
        %parallel_loop3A_331 = tpu.vector_load %arg8[%parallel_loop3A_328, %parallel_loop3A_329, %parallel_loop3A_330] {strides = array<i32>} : memref<4x200x64xf32, #tpu.memory_space<vmem>>, vector<1x1x16xf32>,
        %parallel_loop3A_332 = vector.shape_cast %parallel_loop3A_331 : vector<1x1x16xf32> to vector<16xf32>
        %parallel_loop3A_333 = arith.constant 8.000000e+00 : f32
        %parallel_loop3A_334 = vector.broadcast %parallel_loop3A_333 : f32 to vector<16xf32>
        %parallel_loop3A_335 = arith.mulf %parallel_loop3A_332, %parallel_loop3A_334 : vector<16xf32>
        %parallel_loop3A_336 = arith.index_cast %parallel_loop3A_305 : i32 to index
        %parallel_loop3A_337 = arith.constant 16 : index
        %parallel_loop3A_338 = tpu.vector_load %arg7[%parallel_loop3A_336, %parallel_loop3A_337] {strides = array<i32>} : memref<200x64xf32, #tpu.memory_space<vmem>>, vector<1x16xf32>,
        %parallel_loop3A_339 = vector.shape_cast %parallel_loop3A_338 : vector<1x16xf32> to vector<16xf32>
        %parallel_loop3A_340 = arith.addf %parallel_loop3A_335, %parallel_loop3A_339 : vector<16xf32>
        %parallel_loop3A_341 = arith.constant 2 : i32
        %parallel_loop3A_342 = arith.index_cast %parallel_loop3A_341 : i32 to index
        %parallel_loop3A_343 = arith.index_cast %parallel_loop3A_305 : i32 to index
        %parallel_loop3A_344 = arith.constant 16 : index
        %parallel_loop3A_345 = tpu.vector_load %arg8[%parallel_loop3A_342, %parallel_loop3A_343, %parallel_loop3A_344] {strides = array<i32>} : memref<4x200x64xf32, #tpu.memory_space<vmem>>, vector<1x1x16xf32>,
        %parallel_loop3A_346 = vector.shape_cast %parallel_loop3A_345 : vector<1x1x16xf32> to vector<16xf32>
        %parallel_loop3A_347 = vector.shape_cast %parallel_loop3A_340 : vector<16xf32> to vector<1x1x16xf32>
        tpu.vector_store %arg8[%parallel_loop3A_342, %parallel_loop3A_343, %parallel_loop3A_344], %parallel_loop3A_347 {strides = array<i32>} : memref<4x200x64xf32, #tpu.memory_space<vmem>>, vector<1x1x16xf32>,
        %parallel_loop3A_348 = arith.constant 2 : i32
        %parallel_loop3A_349 = arith.index_cast %parallel_loop3A_348 : i32 to index
        %parallel_loop3A_350 = arith.index_cast %parallel_loop3A_305 : i32 to index
        %parallel_loop3A_351 = arith.constant 32 : index
        %parallel_loop3A_352 = tpu.vector_load %arg8[%parallel_loop3A_349, %parallel_loop3A_350, %parallel_loop3A_351] {strides = array<i32>} : memref<4x200x64xf32, #tpu.memory_space<vmem>>, vector<1x1x16xf32>,
        %parallel_loop3A_353 = vector.shape_cast %parallel_loop3A_352 : vector<1x1x16xf32> to vector<16xf32>
        %parallel_loop3A_354 = arith.constant 8.000000e+00 : f32
        %parallel_loop3A_355 = vector.broadcast %parallel_loop3A_354 : f32 to vector<16xf32>
        %parallel_loop3A_356 = arith.mulf %parallel_loop3A_353, %parallel_loop3A_355 : vector<16xf32>
        %parallel_loop3A_357 = arith.index_cast %parallel_loop3A_305 : i32 to index
        %parallel_loop3A_358 = arith.constant 32 : index
        %parallel_loop3A_359 = tpu.vector_load %arg7[%parallel_loop3A_357, %parallel_loop3A_358] {strides = array<i32>} : memref<200x64xf32, #tpu.memory_space<vmem>>, vector<1x16xf32>,
        %parallel_loop3A_360 = vector.shape_cast %parallel_loop3A_359 : vector<1x16xf32> to vector<16xf32>
        %parallel_loop3A_361 = arith.addf %parallel_loop3A_356, %parallel_loop3A_360 : vector<16xf32>
        %parallel_loop3A_362 = arith.constant 2 : i32
        %parallel_loop3A_363 = arith.index_cast %parallel_loop3A_362 : i32 to index
        %parallel_loop3A_364 = arith.index_cast %parallel_loop3A_305 : i32 to index
        %parallel_loop3A_365 = arith.constant 32 : index
        %parallel_loop3A_366 = tpu.vector_load %arg8[%parallel_loop3A_363, %parallel_loop3A_364, %parallel_loop3A_365] {strides = array<i32>} : memref<4x200x64xf32, #tpu.memory_space<vmem>>, vector<1x1x16xf32>,
        %parallel_loop3A_367 = vector.shape_cast %parallel_loop3A_366 : vector<1x1x16xf32> to vector<16xf32>
        %parallel_loop3A_368 = vector.shape_cast %parallel_loop3A_361 : vector<16xf32> to vector<1x1x16xf32>
        tpu.vector_store %arg8[%parallel_loop3A_363, %parallel_loop3A_364, %parallel_loop3A_365], %parallel_loop3A_368 {strides = array<i32>} : memref<4x200x64xf32, #tpu.memory_space<vmem>>, vector<1x1x16xf32>,
        %parallel_loop3A_369 = arith.constant 2 : i32
        %parallel_loop3A_370 = arith.index_cast %parallel_loop3A_369 : i32 to index
        %parallel_loop3A_371 = arith.index_cast %parallel_loop3A_305 : i32 to index
        %parallel_loop3A_372 = arith.constant 48 : index
        %parallel_loop3A_373 = tpu.vector_load %arg8[%parallel_loop3A_370, %parallel_loop3A_371, %parallel_loop3A_372] {strides = array<i32>} : memref<4x200x64xf32, #tpu.memory_space<vmem>>, vector<1x1x16xf32>,
        %parallel_loop3A_374 = vector.shape_cast %parallel_loop3A_373 : vector<1x1x16xf32> to vector<16xf32>
        %parallel_loop3A_375 = arith.constant 8.000000e+00 : f32
        %parallel_loop3A_376 = vector.broadcast %parallel_loop3A_375 : f32 to vector<16xf32>
        %parallel_loop3A_377 = arith.mulf %parallel_loop3A_374, %parallel_loop3A_376 : vector<16xf32>
        %parallel_loop3A_378 = arith.index_cast %parallel_loop3A_305 : i32 to index
        %parallel_loop3A_379 = arith.constant 48 : index
        %parallel_loop3A_380 = tpu.vector_load %arg7[%parallel_loop3A_378, %parallel_loop3A_379] {strides = array<i32>} : memref<200x64xf32, #tpu.memory_space<vmem>>, vector<1x16xf32>,
        %parallel_loop3A_381 = vector.shape_cast %parallel_loop3A_380 : vector<1x16xf32> to vector<16xf32>
        %parallel_loop3A_382 = arith.addf %parallel_loop3A_377, %parallel_loop3A_381 : vector<16xf32>
        %parallel_loop3A_383 = arith.constant 2 : i32
        %parallel_loop3A_384 = arith.index_cast %parallel_loop3A_383 : i32 to index
        %parallel_loop3A_385 = arith.index_cast %parallel_loop3A_305 : i32 to index
        %parallel_loop3A_386 = arith.constant 48 : index
        %parallel_loop3A_387 = tpu.vector_load %arg8[%parallel_loop3A_384, %parallel_loop3A_385, %parallel_loop3A_386] {strides = array<i32>} : memref<4x200x64xf32, #tpu.memory_space<vmem>>, vector<1x1x16xf32>,
        %parallel_loop3A_388 = vector.shape_cast %parallel_loop3A_387 : vector<1x1x16xf32> to vector<16xf32>
        %parallel_loop3A_389 = vector.shape_cast %parallel_loop3A_382 : vector<16xf32> to vector<1x1x16xf32>
        tpu.vector_store %arg8[%parallel_loop3A_384, %parallel_loop3A_385, %parallel_loop3A_386], %parallel_loop3A_389 {strides = array<i32>} : memref<4x200x64xf32, #tpu.memory_space<vmem>>, vector<1x1x16xf32>,
      } {sc.loop_unroll_factor = 2 : i64, sc.parallel_access}
      %add3A_229 = arith.addi %mul3A_2, %add3A_208 : i32
      %dma_start3A_230 = arith.constant 2 : i32
      %dma_start3A_231 = arith.constant 0 : i32
      %dma_start3A_232 = arith.constant 0 : i32
      %dma_start3A_233 = tpu.memref_slice %arg8[%dma_start3A_230, %dma_start3A_231, %dma_start3A_232] : memref<4x200x64xf32, #tpu.memory_space<vmem>> -> memref<1x200x64xf32, #tpu.memory_space<vmem>>
      %dma_start3A_234 = tpu.memref_squeeze %dma_start3A_233 : memref<1x200x64xf32, #tpu.memory_space<vmem>> -> memref<200x64xf32, #tpu.memory_space<vmem>>
      %dma_start3A_235 = arith.constant 0 : i32
      %dma_start3A_236 = arith.constant 0 : i32
      %dma_start3A_237 = tpu.memref_slice %arg5[%add3A_229, %dma_start3A_235, %dma_start3A_236] : memref<1024x200x64xf32, #tpu.memory_space<hbm>> -> memref<1x200x64xf32, #tpu.memory_space<hbm>>
      %dma_start3A_238 = tpu.memref_squeeze %dma_start3A_237 : memref<1x200x64xf32, #tpu.memory_space<hbm>> -> memref<200x64xf32, #tpu.memory_space<hbm>>
      %dma_start3A_239 = arith.constant 0 : i32
      %dma_start3A_240 = arith.constant 0 : i32
      %dma_start3A_241 = tpu.memref_slice %arg5[%add3A_229, %dma_start3A_239, %dma_start3A_240] : memref<1024x200x64xf32, #tpu.memory_space<hbm>> -> memref<1x200x64xf32, #tpu.memory_space<hbm>>
      %dma_start3A_242 = tpu.memref_squeeze %dma_start3A_241 : memref<1x200x64xf32, #tpu.memory_space<hbm>> -> memref<200x64xf32, #tpu.memory_space<hbm>>
      %dma_start3A_243 = arith.constant 0 : i32
      %dma_start3A_244 = arith.constant 0 : i32
      %dma_start3A_245 = tpu.memref_slice %arg8[%dma_start3A_230, %dma_start3A_243, %dma_start3A_244] : memref<4x200x64xf32, #tpu.memory_space<vmem>> -> memref<1x200x64xf32, #tpu.memory_space<vmem>>
      %dma_start3A_246 = tpu.memref_squeeze %dma_start3A_245 : memref<1x200x64xf32, #tpu.memory_space<vmem>> -> memref<200x64xf32, #tpu.memory_space<vmem>>
      tpu.enqueue_dma source(%dma_start3A_246 : memref<200x64xf32, #tpu.memory_space<vmem>>) target(%dma_start3A_242 : memref<200x64xf32, #tpu.memory_space<hbm>>) target_semaphore(%arg15 : memref<!tpu.dma_semaphore, #tpu.memory_space<semaphore_mem>>)
      %add3A_247 = arith.constant 4 : i32
      %add3A_248 = arith.addi %add3A_208, %add3A_247 : i32
      %sub3A_249 = arith.constant 1 : i32
      %sub3A_250 = arith.subi %add3A_248, %sub3A_249 : i32
      %lt3A_251 = arith.constant 32 : i32
      %lt3A_252 = arith.cmpi slt, %sub3A_250, %lt3A_251 : i32
      %convert_element_type3A_253 = arith.extui %lt3A_252 : i1 to i32
      %cond3A_254 = arith.constant 0 : i32
      %cond3A_255 = arith.cmpi ne, %convert_element_type3A_253, %cond3A_254 : i32
      scf.if %cond3A_255 {
        %ge3A = arith.constant 4 : i32
        %ge3A_305 = arith.cmpi sge, %sub3A_250, %ge3A : i32
        %convert_element_type3A_306 = arith.extui %ge3A_305 : i1 to i32
        %cond3A_307 = arith.constant 0 : i32
        %cond3A_308 = arith.cmpi ne, %convert_element_type3A_306, %cond3A_307 : i32
        scf.if %cond3A_308 {
          %dma_wait3A_320 = arith.constant 1 : i32
          %dma_wait3A_321 = arith.constant 0 : i32
          %dma_wait3A_322 = arith.constant 0 : i32
          %dma_wait3A_323 = tpu.memref_slice %arg8[%dma_wait3A_320, %dma_wait3A_321, %dma_wait3A_322] : memref<4x200x64xf32, #tpu.memory_space<vmem>> -> memref<1x200x64xf32, #tpu.memory_space<vmem>>
          %dma_wait3A_324 = tpu.memref_squeeze %dma_wait3A_323 : memref<1x200x64xf32, #tpu.memory_space<vmem>> -> memref<200x64xf32, #tpu.memory_space<vmem>>
          %dma_wait3A_325 = arith.constant 0 : i32
          %dma_wait3A_326 = arith.constant 0 : i32
          %dma_wait3A_327 = tpu.memref_slice %arg5[%mul3A_2, %dma_wait3A_325, %dma_wait3A_326] : memref<1024x200x64xf32, #tpu.memory_space<hbm>> -> memref<1x200x64xf32, #tpu.memory_space<hbm>>
          %dma_wait3A_328 = tpu.memref_squeeze %dma_wait3A_327 : memref<1x200x64xf32, #tpu.memory_space<hbm>> -> memref<200x64xf32, #tpu.memory_space<hbm>>
          %dma_wait3A_329 = arith.constant 0 : i32
          %dma_wait3A_330 = arith.constant 0 : i32
          %dma_wait3A_331 = tpu.memref_slice %arg5[%mul3A_2, %dma_wait3A_329, %dma_wait3A_330] : memref<1024x200x64xf32, #tpu.memory_space<hbm>> -> memref<1x200x64xf32, #tpu.memory_space<hbm>>
          %dma_wait3A_332 = tpu.memref_squeeze %dma_wait3A_331 : memref<1x200x64xf32, #tpu.memory_space<hbm>> -> memref<200x64xf32, #tpu.memory_space<hbm>>
          %dma_wait3A_333 = arith.constant 0 : i32
          %dma_wait3A_334 = arith.constant 0 : i32
          %dma_wait3A_335 = tpu.memref_slice %arg8[%dma_wait3A_320, %dma_wait3A_333, %dma_wait3A_334] : memref<4x200x64xf32, #tpu.memory_space<vmem>> -> memref<1x200x64xf32, #tpu.memory_space<vmem>>
          %dma_wait3A_336 = tpu.memref_squeeze %dma_wait3A_335 : memref<1x200x64xf32, #tpu.memory_space<vmem>> -> memref<200x64xf32, #tpu.memory_space<vmem>>
          tpu.wait_dma2 semaphore(%arg14 : memref<!tpu.dma_semaphore, #tpu.memory_space<semaphore_mem>>) src(%dma_wait3A_336 : memref<200x64xf32, #tpu.memory_space<vmem>>) dst(%dma_wait3A_332 : memref<200x64xf32, #tpu.memory_space<hbm>>)
        } else {
        }
        %dma_start3A_309 = arith.constant 1 : i32
        %dma_start3A_310 = arith.constant 0 : i32
        %dma_start3A_311 = arith.constant 0 : i32
        %dma_start3A_312 = tpu.memref_slice %arg8[%dma_start3A_309, %dma_start3A_310, %dma_start3A_311] : memref<4x200x64xf32, #tpu.memory_space<vmem>> -> memref<1x200x64xf32, #tpu.memory_space<vmem>>
        %dma_start3A_313 = tpu.memref_squeeze %dma_start3A_312 : memref<1x200x64xf32, #tpu.memory_space<vmem>> -> memref<200x64xf32, #tpu.memory_space<vmem>>
        %dma_start3A_314 = arith.constant 0 : i32
        %dma_start3A_315 = tpu.memref_slice %arg6[%sub3A_250, %dma_start3A_314] : memref<32x200xi32, #tpu.memory_space<vmem>> -> memref<1x200xi32, #tpu.memory_space<vmem>>
        %dma_start3A_316 = tpu.memref_squeeze %dma_start3A_315 : memref<1x200xi32, #tpu.memory_space<vmem>> -> memref<200xi32, #tpu.memory_space<vmem>>
        %dma_start3A_317 = arith.constant 0 : i32
        %dma_start3A_318 = arith.constant 0 : i32
        %dma_start3A_319 = tpu.memref_slice %arg3[%dma_start3A_317, %dma_start3A_318] : memref<1000000x64xf32, #tpu.memory_space<hbm>> -> memref<1000000x64xf32, #tpu.memory_space<hbm>>
        tpu.enqueue_indirect_dma source(%dma_start3A_319 : memref<1000000x64xf32, #tpu.memory_space<hbm>>) target(%dma_start3A_313 : memref<200x64xf32, #tpu.memory_space<vmem>>) offsets(%dma_start3A_316 : memref<200xi32, #tpu.memory_space<vmem>>) semaphore(%arg10 : memref<!tpu.dma_semaphore, #tpu.memory_space<semaphore_mem>>)
      } else {
      }
      %add3A_256 = arith.constant 3 : i32
      %add3A_257 = arith.addi %add3A_113, %add3A_256 : i32
      %dma_wait3A_258 = arith.constant 3 : i32
      %dma_wait3A_259 = arith.constant 0 : i32
      %dma_wait3A_260 = arith.constant 0 : i32
      %dma_wait3A_261 = tpu.memref_slice %arg8[%dma_wait3A_258, %dma_wait3A_259, %dma_wait3A_260] : memref<4x200x64xf32, #tpu.memory_space<vmem>> -> memref<1x200x64xf32, #tpu.memory_space<vmem>>
      %dma_wait3A_262 = tpu.memref_squeeze %dma_wait3A_261 : memref<1x200x64xf32, #tpu.memory_space<vmem>> -> memref<200x64xf32, #tpu.memory_space<vmem>>
      %dma_wait3A_263 = arith.constant 0 : i32
      %dma_wait3A_264 = arith.constant 0 : i32
      %dma_wait3A_265 = tpu.memref_slice %arg5[%mul3A_2, %dma_wait3A_263, %dma_wait3A_264] : memref<1024x200x64xf32, #tpu.memory_space<hbm>> -> memref<1x200x64xf32, #tpu.memory_space<hbm>>
      %dma_wait3A_266 = tpu.memref_squeeze %dma_wait3A_265 : memref<1x200x64xf32, #tpu.memory_space<hbm>> -> memref<200x64xf32, #tpu.memory_space<hbm>>
      %dma_wait3A_267 = arith.constant 0 : i32
      %dma_wait3A_268 = arith.constant 0 : i32
      %dma_wait3A_269 = tpu.memref_slice %arg8[%dma_wait3A_258, %dma_wait3A_267, %dma_wait3A_268] : memref<4x200x64xf32, #tpu.memory_space<vmem>> -> memref<1x200x64xf32, #tpu.memory_space<vmem>>
      %dma_wait3A_270 = tpu.memref_squeeze %dma_wait3A_269 : memref<1x200x64xf32, #tpu.memory_space<vmem>> -> memref<200x64xf32, #tpu.memory_space<vmem>>
      %dma_wait3A_271 = arith.constant 0 : i32
      %dma_wait3A_272 = arith.constant 0 : i32
      %dma_wait3A_273 = tpu.memref_slice %arg5[%mul3A_2, %dma_wait3A_271, %dma_wait3A_272] : memref<1024x200x64xf32, #tpu.memory_space<hbm>> -> memref<1x200x64xf32, #tpu.memory_space<hbm>>
      %dma_wait3A_274 = tpu.memref_squeeze %dma_wait3A_273 : memref<1x200x64xf32, #tpu.memory_space<hbm>> -> memref<200x64xf32, #tpu.memory_space<hbm>>
      tpu.wait_dma2 semaphore(%arg12 : memref<!tpu.dma_semaphore, #tpu.memory_space<semaphore_mem>>) src(%dma_wait3A_274 : memref<200x64xf32, #tpu.memory_space<hbm>>) dst(%dma_wait3A_270 : memref<200x64xf32, #tpu.memory_space<vmem>>)
      %parallel_loop3A_275 = arith.constant 0 : i32
      %parallel_loop3A_276 = arith.constant 200 : i32
      %parallel_loop3A_277 = arith.constant 1 : i32
      scf.for %parallel_loop3A_305 = %parallel_loop3A_275 to %parallel_loop3A_276 step %parallel_loop3A_277  : i32 {
        %parallel_loop3A_306 = arith.constant 3 : i32
        %parallel_loop3A_307 = arith.index_cast %parallel_loop3A_306 : i32 to index
        %parallel_loop3A_308 = arith.index_cast %parallel_loop3A_305 : i32 to index
        %parallel_loop3A_309 = arith.constant 0 : index
        %parallel_loop3A_310 = tpu.vector_load %arg8[%parallel_loop3A_307, %parallel_loop3A_308, %parallel_loop3A_309] {strides = array<i32>} : memref<4x200x64xf32, #tpu.memory_space<vmem>>, vector<1x1x16xf32>,
        %parallel_loop3A_311 = vector.shape_cast %parallel_loop3A_310 : vector<1x1x16xf32> to vector<16xf32>
        %parallel_loop3A_312 = arith.constant 8.000000e+00 : f32
        %parallel_loop3A_313 = vector.broadcast %parallel_loop3A_312 : f32 to vector<16xf32>
        %parallel_loop3A_314 = arith.mulf %parallel_loop3A_311, %parallel_loop3A_313 : vector<16xf32>
        %parallel_loop3A_315 = arith.index_cast %parallel_loop3A_305 : i32 to index
        %parallel_loop3A_316 = arith.constant 0 : index
        %parallel_loop3A_317 = tpu.vector_load %arg7[%parallel_loop3A_315, %parallel_loop3A_316] {strides = array<i32>} : memref<200x64xf32, #tpu.memory_space<vmem>>, vector<1x16xf32>,
        %parallel_loop3A_318 = vector.shape_cast %parallel_loop3A_317 : vector<1x16xf32> to vector<16xf32>
        %parallel_loop3A_319 = arith.addf %parallel_loop3A_314, %parallel_loop3A_318 : vector<16xf32>
        %parallel_loop3A_320 = arith.constant 3 : i32
        %parallel_loop3A_321 = arith.index_cast %parallel_loop3A_320 : i32 to index
        %parallel_loop3A_322 = arith.index_cast %parallel_loop3A_305 : i32 to index
        %parallel_loop3A_323 = arith.constant 0 : index
        %parallel_loop3A_324 = tpu.vector_load %arg8[%parallel_loop3A_321, %parallel_loop3A_322, %parallel_loop3A_323] {strides = array<i32>} : memref<4x200x64xf32, #tpu.memory_space<vmem>>, vector<1x1x16xf32>,
        %parallel_loop3A_325 = vector.shape_cast %parallel_loop3A_324 : vector<1x1x16xf32> to vector<16xf32>
        %parallel_loop3A_326 = vector.shape_cast %parallel_loop3A_319 : vector<16xf32> to vector<1x1x16xf32>
        tpu.vector_store %arg8[%parallel_loop3A_321, %parallel_loop3A_322, %parallel_loop3A_323], %parallel_loop3A_326 {strides = array<i32>} : memref<4x200x64xf32, #tpu.memory_space<vmem>>, vector<1x1x16xf32>,
        %parallel_loop3A_327 = arith.constant 3 : i32
        %parallel_loop3A_328 = arith.index_cast %parallel_loop3A_327 : i32 to index
        %parallel_loop3A_329 = arith.index_cast %parallel_loop3A_305 : i32 to index
        %parallel_loop3A_330 = arith.constant 16 : index
        %parallel_loop3A_331 = tpu.vector_load %arg8[%parallel_loop3A_328, %parallel_loop3A_329, %parallel_loop3A_330] {strides = array<i32>} : memref<4x200x64xf32, #tpu.memory_space<vmem>>, vector<1x1x16xf32>,
        %parallel_loop3A_332 = vector.shape_cast %parallel_loop3A_331 : vector<1x1x16xf32> to vector<16xf32>
        %parallel_loop3A_333 = arith.constant 8.000000e+00 : f32
        %parallel_loop3A_334 = vector.broadcast %parallel_loop3A_333 : f32 to vector<16xf32>
        %parallel_loop3A_335 = arith.mulf %parallel_loop3A_332, %parallel_loop3A_334 : vector<16xf32>
        %parallel_loop3A_336 = arith.index_cast %parallel_loop3A_305 : i32 to index
        %parallel_loop3A_337 = arith.constant 16 : index
        %parallel_loop3A_338 = tpu.vector_load %arg7[%parallel_loop3A_336, %parallel_loop3A_337] {strides = array<i32>} : memref<200x64xf32, #tpu.memory_space<vmem>>, vector<1x16xf32>,
        %parallel_loop3A_339 = vector.shape_cast %parallel_loop3A_338 : vector<1x16xf32> to vector<16xf32>
        %parallel_loop3A_340 = arith.addf %parallel_loop3A_335, %parallel_loop3A_339 : vector<16xf32>
        %parallel_loop3A_341 = arith.constant 3 : i32
        %parallel_loop3A_342 = arith.index_cast %parallel_loop3A_341 : i32 to index
        %parallel_loop3A_343 = arith.index_cast %parallel_loop3A_305 : i32 to index
        %parallel_loop3A_344 = arith.constant 16 : index
        %parallel_loop3A_345 = tpu.vector_load %arg8[%parallel_loop3A_342, %parallel_loop3A_343, %parallel_loop3A_344] {strides = array<i32>} : memref<4x200x64xf32, #tpu.memory_space<vmem>>, vector<1x1x16xf32>,
        %parallel_loop3A_346 = vector.shape_cast %parallel_loop3A_345 : vector<1x1x16xf32> to vector<16xf32>
        %parallel_loop3A_347 = vector.shape_cast %parallel_loop3A_340 : vector<16xf32> to vector<1x1x16xf32>
        tpu.vector_store %arg8[%parallel_loop3A_342, %parallel_loop3A_343, %parallel_loop3A_344], %parallel_loop3A_347 {strides = array<i32>} : memref<4x200x64xf32, #tpu.memory_space<vmem>>, vector<1x1x16xf32>,
        %parallel_loop3A_348 = arith.constant 3 : i32
        %parallel_loop3A_349 = arith.index_cast %parallel_loop3A_348 : i32 to index
        %parallel_loop3A_350 = arith.index_cast %parallel_loop3A_305 : i32 to index
        %parallel_loop3A_351 = arith.constant 32 : index
        %parallel_loop3A_352 = tpu.vector_load %arg8[%parallel_loop3A_349, %parallel_loop3A_350, %parallel_loop3A_351] {strides = array<i32>} : memref<4x200x64xf32, #tpu.memory_space<vmem>>, vector<1x1x16xf32>,
        %parallel_loop3A_353 = vector.shape_cast %parallel_loop3A_352 : vector<1x1x16xf32> to vector<16xf32>
        %parallel_loop3A_354 = arith.constant 8.000000e+00 : f32
        %parallel_loop3A_355 = vector.broadcast %parallel_loop3A_354 : f32 to vector<16xf32>
        %parallel_loop3A_356 = arith.mulf %parallel_loop3A_353, %parallel_loop3A_355 : vector<16xf32>
        %parallel_loop3A_357 = arith.index_cast %parallel_loop3A_305 : i32 to index
        %parallel_loop3A_358 = arith.constant 32 : index
        %parallel_loop3A_359 = tpu.vector_load %arg7[%parallel_loop3A_357, %parallel_loop3A_358] {strides = array<i32>} : memref<200x64xf32, #tpu.memory_space<vmem>>, vector<1x16xf32>,
        %parallel_loop3A_360 = vector.shape_cast %parallel_loop3A_359 : vector<1x16xf32> to vector<16xf32>
        %parallel_loop3A_361 = arith.addf %parallel_loop3A_356, %parallel_loop3A_360 : vector<16xf32>
        %parallel_loop3A_362 = arith.constant 3 : i32
        %parallel_loop3A_363 = arith.index_cast %parallel_loop3A_362 : i32 to index
        %parallel_loop3A_364 = arith.index_cast %parallel_loop3A_305 : i32 to index
        %parallel_loop3A_365 = arith.constant 32 : index
        %parallel_loop3A_366 = tpu.vector_load %arg8[%parallel_loop3A_363, %parallel_loop3A_364, %parallel_loop3A_365] {strides = array<i32>} : memref<4x200x64xf32, #tpu.memory_space<vmem>>, vector<1x1x16xf32>,
        %parallel_loop3A_367 = vector.shape_cast %parallel_loop3A_366 : vector<1x1x16xf32> to vector<16xf32>
        %parallel_loop3A_368 = vector.shape_cast %parallel_loop3A_361 : vector<16xf32> to vector<1x1x16xf32>
        tpu.vector_store %arg8[%parallel_loop3A_363, %parallel_loop3A_364, %parallel_loop3A_365], %parallel_loop3A_368 {strides = array<i32>} : memref<4x200x64xf32, #tpu.memory_space<vmem>>, vector<1x1x16xf32>,
        %parallel_loop3A_369 = arith.constant 3 : i32
        %parallel_loop3A_370 = arith.index_cast %parallel_loop3A_369 : i32 to index
        %parallel_loop3A_371 = arith.index_cast %parallel_loop3A_305 : i32 to index
        %parallel_loop3A_372 = arith.constant 48 : index
        %parallel_loop3A_373 = tpu.vector_load %arg8[%parallel_loop3A_370, %parallel_loop3A_371, %parallel_loop3A_372] {strides = array<i32>} : memref<4x200x64xf32, #tpu.memory_space<vmem>>, vector<1x1x16xf32>,
        %parallel_loop3A_374 = vector.shape_cast %parallel_loop3A_373 : vector<1x1x16xf32> to vector<16xf32>
        %parallel_loop3A_375 = arith.constant 8.000000e+00 : f32
        %parallel_loop3A_376 = vector.broadcast %parallel_loop3A_375 : f32 to vector<16xf32>
        %parallel_loop3A_377 = arith.mulf %parallel_loop3A_374, %parallel_loop3A_376 : vector<16xf32>
        %parallel_loop3A_378 = arith.index_cast %parallel_loop3A_305 : i32 to index
        %parallel_loop3A_379 = arith.constant 48 : index
        %parallel_loop3A_380 = tpu.vector_load %arg7[%parallel_loop3A_378, %parallel_loop3A_379] {strides = array<i32>} : memref<200x64xf32, #tpu.memory_space<vmem>>, vector<1x16xf32>,
        %parallel_loop3A_381 = vector.shape_cast %parallel_loop3A_380 : vector<1x16xf32> to vector<16xf32>
        %parallel_loop3A_382 = arith.addf %parallel_loop3A_377, %parallel_loop3A_381 : vector<16xf32>
        %parallel_loop3A_383 = arith.constant 3 : i32
        %parallel_loop3A_384 = arith.index_cast %parallel_loop3A_383 : i32 to index
        %parallel_loop3A_385 = arith.index_cast %parallel_loop3A_305 : i32 to index
        %parallel_loop3A_386 = arith.constant 48 : index
        %parallel_loop3A_387 = tpu.vector_load %arg8[%parallel_loop3A_384, %parallel_loop3A_385, %parallel_loop3A_386] {strides = array<i32>} : memref<4x200x64xf32, #tpu.memory_space<vmem>>, vector<1x1x16xf32>,
        %parallel_loop3A_388 = vector.shape_cast %parallel_loop3A_387 : vector<1x1x16xf32> to vector<16xf32>
        %parallel_loop3A_389 = vector.shape_cast %parallel_loop3A_382 : vector<16xf32> to vector<1x1x16xf32>
        tpu.vector_store %arg8[%parallel_loop3A_384, %parallel_loop3A_385, %parallel_loop3A_386], %parallel_loop3A_389 {strides = array<i32>} : memref<4x200x64xf32, #tpu.memory_space<vmem>>, vector<1x1x16xf32>,
      } {sc.loop_unroll_factor = 2 : i64, sc.parallel_access}
      %add3A_278 = arith.addi %mul3A_2, %add3A_257 : i32
      %dma_start3A_279 = arith.constant 3 : i32
      %dma_start3A_280 = arith.constant 0 : i32
      %dma_start3A_281 = arith.constant 0 : i32
      %dma_start3A_282 = tpu.memref_slice %arg8[%dma_start3A_279, %dma_start3A_280, %dma_start3A_281] : memref<4x200x64xf32, #tpu.memory_space<vmem>> -> memref<1x200x64xf32, #tpu.memory_space<vmem>>
      %dma_start3A_283 = tpu.memref_squeeze %dma_start3A_282 : memref<1x200x64xf32, #tpu.memory_space<vmem>> -> memref<200x64xf32, #tpu.memory_space<vmem>>
      %dma_start3A_284 = arith.constant 0 : i32
      %dma_start3A_285 = arith.constant 0 : i32
      %dma_start3A_286 = tpu.memref_slice %arg5[%add3A_278, %dma_start3A_284, %dma_start3A_285] : memref<1024x200x64xf32, #tpu.memory_space<hbm>> -> memref<1x200x64xf32, #tpu.memory_space<hbm>>
      %dma_start3A_287 = tpu.memref_squeeze %dma_start3A_286 : memref<1x200x64xf32, #tpu.memory_space<hbm>> -> memref<200x64xf32, #tpu.memory_space<hbm>>
      %dma_start3A_288 = arith.constant 0 : i32
      %dma_start3A_289 = arith.constant 0 : i32
      %dma_start3A_290 = tpu.memref_slice %arg5[%add3A_278, %dma_start3A_288, %dma_start3A_289] : memref<1024x200x64xf32, #tpu.memory_space<hbm>> -> memref<1x200x64xf32, #tpu.memory_space<hbm>>
      %dma_start3A_291 = tpu.memref_squeeze %dma_start3A_290 : memref<1x200x64xf32, #tpu.memory_space<hbm>> -> memref<200x64xf32, #tpu.memory_space<hbm>>
      %dma_start3A_292 = arith.constant 0 : i32
      %dma_start3A_293 = arith.constant 0 : i32
      %dma_start3A_294 = tpu.memref_slice %arg8[%dma_start3A_279, %dma_start3A_292, %dma_start3A_293] : memref<4x200x64xf32, #tpu.memory_space<vmem>> -> memref<1x200x64xf32, #tpu.memory_space<vmem>>
      %dma_start3A_295 = tpu.memref_squeeze %dma_start3A_294 : memref<1x200x64xf32, #tpu.memory_space<vmem>> -> memref<200x64xf32, #tpu.memory_space<vmem>>
      tpu.enqueue_dma source(%dma_start3A_295 : memref<200x64xf32, #tpu.memory_space<vmem>>) target(%dma_start3A_291 : memref<200x64xf32, #tpu.memory_space<hbm>>) target_semaphore(%arg16 : memref<!tpu.dma_semaphore, #tpu.memory_space<semaphore_mem>>)
      %add3A_296 = arith.constant 4 : i32
      %add3A_297 = arith.addi %add3A_257, %add3A_296 : i32
      %sub3A_298 = arith.constant 1 : i32
      %sub3A_299 = arith.subi %add3A_297, %sub3A_298 : i32
      %lt3A_300 = arith.constant 32 : i32
      %lt3A_301 = arith.cmpi slt, %sub3A_299, %lt3A_300 : i32
      %convert_element_type3A_302 = arith.extui %lt3A_301 : i1 to i32
      %cond3A_303 = arith.constant 0 : i32
      %cond3A_304 = arith.cmpi ne, %convert_element_type3A_302, %cond3A_303 : i32
      scf.if %cond3A_304 {
        %ge3A = arith.constant 4 : i32
        %ge3A_305 = arith.cmpi sge, %sub3A_299, %ge3A : i32
        %convert_element_type3A_306 = arith.extui %ge3A_305 : i1 to i32
        %cond3A_307 = arith.constant 0 : i32
        %cond3A_308 = arith.cmpi ne, %convert_element_type3A_306, %cond3A_307 : i32
        scf.if %cond3A_308 {
          %dma_wait3A_320 = arith.constant 2 : i32
          %dma_wait3A_321 = arith.constant 0 : i32
          %dma_wait3A_322 = arith.constant 0 : i32
          %dma_wait3A_323 = tpu.memref_slice %arg8[%dma_wait3A_320, %dma_wait3A_321, %dma_wait3A_322] : memref<4x200x64xf32, #tpu.memory_space<vmem>> -> memref<1x200x64xf32, #tpu.memory_space<vmem>>
          %dma_wait3A_324 = tpu.memref_squeeze %dma_wait3A_323 : memref<1x200x64xf32, #tpu.memory_space<vmem>> -> memref<200x64xf32, #tpu.memory_space<vmem>>
          %dma_wait3A_325 = arith.constant 0 : i32
          %dma_wait3A_326 = arith.constant 0 : i32
          %dma_wait3A_327 = tpu.memref_slice %arg5[%mul3A_2, %dma_wait3A_325, %dma_wait3A_326] : memref<1024x200x64xf32, #tpu.memory_space<hbm>> -> memref<1x200x64xf32, #tpu.memory_space<hbm>>
          %dma_wait3A_328 = tpu.memref_squeeze %dma_wait3A_327 : memref<1x200x64xf32, #tpu.memory_space<hbm>> -> memref<200x64xf32, #tpu.memory_space<hbm>>
          %dma_wait3A_329 = arith.constant 0 : i32
          %dma_wait3A_330 = arith.constant 0 : i32
          %dma_wait3A_331 = tpu.memref_slice %arg5[%mul3A_2, %dma_wait3A_329, %dma_wait3A_330] : memref<1024x200x64xf32, #tpu.memory_space<hbm>> -> memref<1x200x64xf32, #tpu.memory_space<hbm>>
          %dma_wait3A_332 = tpu.memref_squeeze %dma_wait3A_331 : memref<1x200x64xf32, #tpu.memory_space<hbm>> -> memref<200x64xf32, #tpu.memory_space<hbm>>
          %dma_wait3A_333 = arith.constant 0 : i32
          %dma_wait3A_334 = arith.constant 0 : i32
          %dma_wait3A_335 = tpu.memref_slice %arg8[%dma_wait3A_320, %dma_wait3A_333, %dma_wait3A_334] : memref<4x200x64xf32, #tpu.memory_space<vmem>> -> memref<1x200x64xf32, #tpu.memory_space<vmem>>
          %dma_wait3A_336 = tpu.memref_squeeze %dma_wait3A_335 : memref<1x200x64xf32, #tpu.memory_space<vmem>> -> memref<200x64xf32, #tpu.memory_space<vmem>>
          tpu.wait_dma2 semaphore(%arg15 : memref<!tpu.dma_semaphore, #tpu.memory_space<semaphore_mem>>) src(%dma_wait3A_336 : memref<200x64xf32, #tpu.memory_space<vmem>>) dst(%dma_wait3A_332 : memref<200x64xf32, #tpu.memory_space<hbm>>)
        } else {
        }
        %dma_start3A_309 = arith.constant 2 : i32
        %dma_start3A_310 = arith.constant 0 : i32
        %dma_start3A_311 = arith.constant 0 : i32
        %dma_start3A_312 = tpu.memref_slice %arg8[%dma_start3A_309, %dma_start3A_310, %dma_start3A_311] : memref<4x200x64xf32, #tpu.memory_space<vmem>> -> memref<1x200x64xf32, #tpu.memory_space<vmem>>
        %dma_start3A_313 = tpu.memref_squeeze %dma_start3A_312 : memref<1x200x64xf32, #tpu.memory_space<vmem>> -> memref<200x64xf32, #tpu.memory_space<vmem>>
        %dma_start3A_314 = arith.constant 0 : i32
        %dma_start3A_315 = tpu.memref_slice %arg6[%sub3A_299, %dma_start3A_314] : memref<32x200xi32, #tpu.memory_space<vmem>> -> memref<1x200xi32, #tpu.memory_space<vmem>>
        %dma_start3A_316 = tpu.memref_squeeze %dma_start3A_315 : memref<1x200xi32, #tpu.memory_space<vmem>> -> memref<200xi32, #tpu.memory_space<vmem>>
        %dma_start3A_317 = arith.constant 0 : i32
        %dma_start3A_318 = arith.constant 0 : i32
        %dma_start3A_319 = tpu.memref_slice %arg3[%dma_start3A_317, %dma_start3A_318] : memref<1000000x64xf32, #tpu.memory_space<hbm>> -> memref<1000000x64xf32, #tpu.memory_space<hbm>>
        tpu.enqueue_indirect_dma source(%dma_start3A_319 : memref<1000000x64xf32, #tpu.memory_space<hbm>>) target(%dma_start3A_313 : memref<200x64xf32, #tpu.memory_space<vmem>>) offsets(%dma_start3A_316 : memref<200xi32, #tpu.memory_space<vmem>>) semaphore(%arg11 : memref<!tpu.dma_semaphore, #tpu.memory_space<semaphore_mem>>)
      } else {
      }
    }
    %scan3A_41 = arith.constant 8 : i32
    %dma_wait3A = arith.constant 0 : i32
    %dma_wait3A_42 = arith.constant 0 : i32
    %dma_wait3A_43 = arith.constant 0 : i32
    %dma_wait3A_44 = tpu.memref_slice %arg8[%dma_wait3A, %dma_wait3A_42, %dma_wait3A_43] : memref<4x200x64xf32, #tpu.memory_space<vmem>> -> memref<1x200x64xf32, #tpu.memory_space<vmem>>
    %dma_wait3A_45 = tpu.memref_squeeze %dma_wait3A_44 : memref<1x200x64xf32, #tpu.memory_space<vmem>> -> memref<200x64xf32, #tpu.memory_space<vmem>>
    %dma_wait3A_46 = arith.constant 0 : i32
    %dma_wait3A_47 = arith.constant 0 : i32
    %dma_wait3A_48 = tpu.memref_slice %arg5[%mul3A_2, %dma_wait3A_46, %dma_wait3A_47] : memref<1024x200x64xf32, #tpu.memory_space<hbm>> -> memref<1x200x64xf32, #tpu.memory_space<hbm>>
    %dma_wait3A_49 = tpu.memref_squeeze %dma_wait3A_48 : memref<1x200x64xf32, #tpu.memory_space<hbm>> -> memref<200x64xf32, #tpu.memory_space<hbm>>
    %dma_wait3A_50 = arith.constant 0 : i32
    %dma_wait3A_51 = arith.constant 0 : i32
    %dma_wait3A_52 = tpu.memref_slice %arg5[%mul3A_2, %dma_wait3A_50, %dma_wait3A_51] : memref<1024x200x64xf32, #tpu.memory_space<hbm>> -> memref<1x200x64xf32, #tpu.memory_space<hbm>>
    %dma_wait3A_53 = tpu.memref_squeeze %dma_wait3A_52 : memref<1x200x64xf32, #tpu.memory_space<hbm>> -> memref<200x64xf32, #tpu.memory_space<hbm>>
    %dma_wait3A_54 = arith.constant 0 : i32
    %dma_wait3A_55 = arith.constant 0 : i32
    %dma_wait3A_56 = tpu.memref_slice %arg8[%dma_wait3A, %dma_wait3A_54, %dma_wait3A_55] : memref<4x200x64xf32, #tpu.memory_space<vmem>> -> memref<1x200x64xf32, #tpu.memory_space<vmem>>
    %dma_wait3A_57 = tpu.memref_squeeze %dma_wait3A_56 : memref<1x200x64xf32, #tpu.memory_space<vmem>> -> memref<200x64xf32, #tpu.memory_space<vmem>>
    tpu.wait_dma2 semaphore(%arg13 : memref<!tpu.dma_semaphore, #tpu.memory_space<semaphore_mem>>) src(%dma_wait3A_57 : memref<200x64xf32, #tpu.memory_space<vmem>>) dst(%dma_wait3A_53 : memref<200x64xf32, #tpu.memory_space<hbm>>)
    %dma_wait3A_58 = arith.constant 1 : i32
    %dma_wait3A_59 = arith.constant 0 : i32
    %dma_wait3A_60 = arith.constant 0 : i32
    %dma_wait3A_61 = tpu.memref_slice %arg8[%dma_wait3A_58, %dma_wait3A_59, %dma_wait3A_60] : memref<4x200x64xf32, #tpu.memory_space<vmem>> -> memref<1x200x64xf32, #tpu.memory_space<vmem>>
    %dma_wait3A_62 = tpu.memref_squeeze %dma_wait3A_61 : memref<1x200x64xf32, #tpu.memory_space<vmem>> -> memref<200x64xf32, #tpu.memory_space<vmem>>
    %dma_wait3A_63 = arith.constant 0 : i32
    %dma_wait3A_64 = arith.constant 0 : i32
    %dma_wait3A_65 = tpu.memref_slice %arg5[%mul3A_2, %dma_wait3A_63, %dma_wait3A_64] : memref<1024x200x64xf32, #tpu.memory_space<hbm>> -> memref<1x200x64xf32, #tpu.memory_space<hbm>>
    %dma_wait3A_66 = tpu.memref_squeeze %dma_wait3A_65 : memref<1x200x64xf32, #tpu.memory_space<hbm>> -> memref<200x64xf32, #tpu.memory_space<hbm>>
    %dma_wait3A_67 = arith.constant 0 : i32
    %dma_wait3A_68 = arith.constant 0 : i32
    %dma_wait3A_69 = tpu.memref_slice %arg5[%mul3A_2, %dma_wait3A_67, %dma_wait3A_68] : memref<1024x200x64xf32, #tpu.memory_space<hbm>> -> memref<1x200x64xf32, #tpu.memory_space<hbm>>
    %dma_wait3A_70 = tpu.memref_squeeze %dma_wait3A_69 : memref<1x200x64xf32, #tpu.memory_space<hbm>> -> memref<200x64xf32, #tpu.memory_space<hbm>>
    %dma_wait3A_71 = arith.constant 0 : i32
    %dma_wait3A_72 = arith.constant 0 : i32
    %dma_wait3A_73 = tpu.memref_slice %arg8[%dma_wait3A_58, %dma_wait3A_71, %dma_wait3A_72] : memref<4x200x64xf32, #tpu.memory_space<vmem>> -> memref<1x200x64xf32, #tpu.memory_space<vmem>>
    %dma_wait3A_74 = tpu.memref_squeeze %dma_wait3A_73 : memref<1x200x64xf32, #tpu.memory_space<vmem>> -> memref<200x64xf32, #tpu.memory_space<vmem>>
    tpu.wait_dma2 semaphore(%arg14 : memref<!tpu.dma_semaphore, #tpu.memory_space<semaphore_mem>>) src(%dma_wait3A_74 : memref<200x64xf32, #tpu.memory_space<vmem>>) dst(%dma_wait3A_70 : memref<200x64xf32, #tpu.memory_space<hbm>>)
    %dma_wait3A_75 = arith.constant 2 : i32
    %dma_wait3A_76 = arith.constant 0 : i32
    %dma_wait3A_77 = arith.constant 0 : i32
    %dma_wait3A_78 = tpu.memref_slice %arg8[%dma_wait3A_75, %dma_wait3A_76, %dma_wait3A_77] : memref<4x200x64xf32, #tpu.memory_space<vmem>> -> memref<1x200x64xf32, #tpu.memory_space<vmem>>
    %dma_wait3A_79 = tpu.memref_squeeze %dma_wait3A_78 : memref<1x200x64xf32, #tpu.memory_space<vmem>> -> memref<200x64xf32, #tpu.memory_space<vmem>>
    %dma_wait3A_80 = arith.constant 0 : i32
    %dma_wait3A_81 = arith.constant 0 : i32
    %dma_wait3A_82 = tpu.memref_slice %arg5[%mul3A_2, %dma_wait3A_80, %dma_wait3A_81] : memref<1024x200x64xf32, #tpu.memory_space<hbm>> -> memref<1x200x64xf32, #tpu.memory_space<hbm>>
    %dma_wait3A_83 = tpu.memref_squeeze %dma_wait3A_82 : memref<1x200x64xf32, #tpu.memory_space<hbm>> -> memref<200x64xf32, #tpu.memory_space<hbm>>
    %dma_wait3A_84 = arith.constant 0 : i32
    %dma_wait3A_85 = arith.constant 0 : i32
    %dma_wait3A_86 = tpu.memref_slice %arg5[%mul3A_2, %dma_wait3A_84, %dma_wait3A_85] : memref<1024x200x64xf32, #tpu.memory_space<hbm>> -> memref<1x200x64xf32, #tpu.memory_space<hbm>>
    %dma_wait3A_87 = tpu.memref_squeeze %dma_wait3A_86 : memref<1x200x64xf32, #tpu.memory_space<hbm>> -> memref<200x64xf32, #tpu.memory_space<hbm>>
    %dma_wait3A_88 = arith.constant 0 : i32
    %dma_wait3A_89 = arith.constant 0 : i32
    %dma_wait3A_90 = tpu.memref_slice %arg8[%dma_wait3A_75, %dma_wait3A_88, %dma_wait3A_89] : memref<4x200x64xf32, #tpu.memory_space<vmem>> -> memref<1x200x64xf32, #tpu.memory_space<vmem>>
    %dma_wait3A_91 = tpu.memref_squeeze %dma_wait3A_90 : memref<1x200x64xf32, #tpu.memory_space<vmem>> -> memref<200x64xf32, #tpu.memory_space<vmem>>
    tpu.wait_dma2 semaphore(%arg15 : memref<!tpu.dma_semaphore, #tpu.memory_space<semaphore_mem>>) src(%dma_wait3A_91 : memref<200x64xf32, #tpu.memory_space<vmem>>) dst(%dma_wait3A_87 : memref<200x64xf32, #tpu.memory_space<hbm>>)
    %dma_wait3A_92 = arith.constant 3 : i32
    %dma_wait3A_93 = arith.constant 0 : i32
    %dma_wait3A_94 = arith.constant 0 : i32
    %dma_wait3A_95 = tpu.memref_slice %arg8[%dma_wait3A_92, %dma_wait3A_93, %dma_wait3A_94] : memref<4x200x64xf32, #tpu.memory_space<vmem>> -> memref<1x200x64xf32, #tpu.memory_space<vmem>>
    %dma_wait3A_96 = tpu.memref_squeeze %dma_wait3A_95 : memref<1x200x64xf32, #tpu.memory_space<vmem>> -> memref<200x64xf32, #tpu.memory_space<vmem>>
    %dma_wait3A_97 = arith.constant 0 : i32
    %dma_wait3A_98 = arith.constant 0 : i32
    %dma_wait3A_99 = tpu.memref_slice %arg5[%mul3A_2, %dma_wait3A_97, %dma_wait3A_98] : memref<1024x200x64xf32, #tpu.memory_space<hbm>> -> memref<1x200x64xf32, #tpu.memory_space<hbm>>
    %dma_wait3A_100 = tpu.memref_squeeze %dma_wait3A_99 : memref<1x200x64xf32, #tpu.memory_space<hbm>> -> memref<200x64xf32, #tpu.memory_space<hbm>>
    %dma_wait3A_101 = arith.constant 0 : i32
    %dma_wait3A_102 = arith.constant 0 : i32
    %dma_wait3A_103 = tpu.memref_slice %arg5[%mul3A_2, %dma_wait3A_101, %dma_wait3A_102] : memref<1024x200x64xf32, #tpu.memory_space<hbm>> -> memref<1x200x64xf32, #tpu.memory_space<hbm>>
    %dma_wait3A_104 = tpu.memref_squeeze %dma_wait3A_103 : memref<1x200x64xf32, #tpu.memory_space<hbm>> -> memref<200x64xf32, #tpu.memory_space<hbm>>
    %dma_wait3A_105 = arith.constant 0 : i32
    %dma_wait3A_106 = arith.constant 0 : i32
    %dma_wait3A_107 = tpu.memref_slice %arg8[%dma_wait3A_92, %dma_wait3A_105, %dma_wait3A_106] : memref<4x200x64xf32, #tpu.memory_space<vmem>> -> memref<1x200x64xf32, #tpu.memory_space<vmem>>
    %dma_wait3A_108 = tpu.memref_squeeze %dma_wait3A_107 : memref<1x200x64xf32, #tpu.memory_space<vmem>> -> memref<200x64xf32, #tpu.memory_space<vmem>>
    tpu.wait_dma2 semaphore(%arg16 : memref<!tpu.dma_semaphore, #tpu.memory_space<semaphore_mem>>) src(%dma_wait3A_108 : memref<200x64xf32, #tpu.memory_space<vmem>>) dst(%dma_wait3A_104 : memref<200x64xf32, #tpu.memory_space<hbm>>)
    return
  }
}

</mosaic_0001>

<sc_bundles>
// kernel: kernel.3.cloned.1.call-start
scs
__scs_entry_jumppad:
0x0: {  	(pc) =	sbr.rel $0x88, $3  }
0x1: {  	(tag) =	ssettag $0x0;
	lr =	simm.s32 $0x1  }
0x2: {  	[smem:$0x3F9F] =	sst lr;
	_ =	strace $0xD0000000  }
0x3: {  	_ = 	snop  }
0x4: {  	_ = 	snop  }
0x5: {  	_ = 	snop  }
0x6: {  	_ = 	snop  }
0x7: {  	_ = 	snop  }
__scs_overlays_trampoline_lowered:
0x8: {  	[smem:$0x3FAE] =	sst s0  }
0x9: {  	[smem:$0x3FAF] =	sst s1  }
0xa: {  	[smem:$0x3FB0] =	sst s2  }
0xb: {  	[smem:$0x3FB1] =	sst s3  }
0xc: {  	[smem:$0x3FB2] =	sst s4  }
0xd: {  	[smem:$0x3FB3] =	sst s5  }
0xe: {  	[smem:$0x3FB4] =	sst s6  }
0xf: {  	[smem:$0x3FB5] =	sst s7  }
0x10: {  	[smem:$0x3FB6] =	sst s8  }
0x11: {  	[smem:$0x3FB7] =	sst s9;
	s0 =	simm.s32 @!p0 $0x0  }
0x12: {  	s1 =	sld [smem:$0x3F9D];
	s0 =	simm.s32 @p0 $0x1  }
0x13: {  	[smem:$0x3FB8] =	sst s0;
	s0 =	simm.s32 @!p1 $0x0  }
0x14: {  	s2 =	sld [smem:$0x3F9C];
	s0 =	simm.s32 @p1 $0x1  }
0x15: {  	[smem:$0x3FB9] =	sst s0;
	s0 =	simm.s32 @!p2 $0x0  }
0x16: {  	s3 =	sld [smem:$0x3FDB];
	s0 =	simm.s32 @p2 $0x1  }
0x17: {  	s4 =	simm.s32 $0x1BF5;
	[smem:$0x3FBB] =	sst s0  }
0x18: {  	s0 =	sld [smem:$0x3F9E];
	_ =	swait.ge [sflag:s4], $0x0  }
0x19: {  	s7 =	sld [smem:$0x3F9F]  }
0x1a: {  	s8 =	sadd.s32 $0xFFFFE003, lr  }
0x1b: {  	s9 =	sadd.s32 $0xFFFFFEF7, lr;
	s5 =	simm.s32 $0xFFFFFFFF;
	p2 =	slt.u32 s8, $0xFFFFF086  }
0x1c: {  	p1 =	slt.u32 s9, $0xF7A;
	s5 =	simm.s32 @!p2 $0x0  }
0x1d: {  	s5 =	simm.s32 @p1 $0x1;
	p0 =	seq.s32 s7, s2  }
0x1e: {  	s7 =	smul.u32 @!p0 $0xF7A, s2;
	p2 =	seq.s32 @!p0 s5, $0x0  }
0x1f: {  	s9 =	smul.u32 $0xF7A, s1;
	s8 =	simm.s32 @!p0 $0x1BF5;
	p2 =	por !p2, p0  }
0x20: {  	[sflag:s8] =	ssyncset.s32 @!p0 $0xFFFFF086;
	s6 =	sadd.s32 @!p0 s3, s7;
	s7 =	simm.s32 @!p0 $0x108  }
0x21: {  	s3 =	sadd.s32 s3, s9;
	s6 =	sadd.s32 @!p0 $0x88, s6;
	s7 =	simm.s32 @p2 $0x1082  }
0x22: {  	[simem:s7], [sflag:s8] =	dma.local @!p0 [hbm:s6], $0xF7A  }
0x23: {  	s9 =	sor.u32 $0xD0000000, s2;
	s6 =	simm.s32 $0x108;
	_ =	swait.ge @!p0 [sflag:s8], $0x0  }
0x24: {  	s3 =	sadd.s32 $0x88, s3;
	s6 =	simm.s32 @!p1 $0x1082;
	[sflag:s4] =	ssyncset.s32 $0xFFFFF086  }
0x25: {  	[simem:s6], [sflag:s4] =	dma.local [hbm:s3], $0xF7A  }
0x26: {  	[smem:$0x3F9F] =	sst s1;
	(tag) =	ssettag s2;
	_ =	strace s9  }
0x27: {  	s1 =	sld [smem:$0x3FAF]  }
0x28: {  	s2 =	sld [smem:$0x3FB0]  }
0x29: {  	s4 =	sld [smem:$0x3FB2]  }
0x2a: {  	p0 =	seq.s32 s5, $0x0;
	s5 =	sld [smem:$0x3FB3]  }
0x2b: {  	s6 =	sld [smem:$0x3FB4]  }
0x2c: {  	s7 =	sld [smem:$0x3FB5]  }
0x2d: {  	s3 =	simm.s32 $0x108;
	s8 =	sld [smem:$0x3FB6]  }
0x2e: {  	s3 =	simm.s32 @!p0 $0x1082;
	s9 =	sld [smem:$0x3FB7]  }
0x2f: {  	lr =	sadd.s32 s0, s3;
	s0 =	sld [smem:$0x3FAE]  }
0x30: {  	s3 =	sld [smem:$0x3FB1]  }
0x31: {  	[smem:$0x3FBA] =	sst s10  }
0x32: {  	s10 =	sld [smem:$0x3FB8];
	_ =	sdelay $0x3  }
0x33: {  	p0 =	seq.s32 s10, $0x1;
	s10 =	sld [smem:$0x3FBA];
	_ =	sdelay $0x3  }
0x34: {  	[smem:$0x3FBA] =	sst s10  }
0x35: {  	s10 =	sld [smem:$0x3FB9];
	_ =	sdelay $0x3  }
0x36: {  	p1 =	seq.s32 s10, $0x1;
	s10 =	sld [smem:$0x3FBA];
	_ =	sdelay $0x3  }
0x37: {  	[smem:$0x3FBA] =	sst s10  }
0x38: {  	s10 =	sld [smem:$0x3FBB]  }
0x39: {  	_ = 	snop;
	(pc) =	sbr.ind lr, $3  }
0x3a: {  	_ = 	snop  }
0x3b: {  	_ = 	snop  }
0x3c: {  	p2 =	seq.s32 s10, $0x1;
	s10 =	sld [smem:$0x3FBA]  }
0x3d: {  	_ =	shalt  }
0x3e: {  	_ =	shalt  }
0x3f: {  	_ =	shalt  }
0x40: {  	_ =	shalt  }
0x41: {  	_ =	shalt  }
0x42: {  	_ =	shalt  }
0x43: {  	_ =	shalt  }
0x44: {  	_ =	shalt  }
0x45: {  	_ =	shalt  }
0x46: {  	_ =	shalt  }
0x47: {  	_ =	shalt  }
0x48: {  	_ =	shalt  }
0x49: {  	_ =	shalt  }
0x4a: {  	_ =	shalt  }
0x4b: {  	_ =	shalt  }
0x4c: {  	_ =	shalt  }
0x4d: {  	_ =	shalt  }
0x4e: {  	_ =	shalt  }
0x4f: {  	_ =	shalt  }
0x50: {  	_ =	shalt  }
0x51: {  	_ =	shalt  }
0x52: {  	_ =	shalt  }
0x53: {  	_ =	shalt  }
0x54: {  	_ =	shalt  }
0x55: {  	_ =	shalt  }
0x56: {  	_ =	shalt  }
0x57: {  	_ =	shalt  }
0x58: {  	_ =	shalt  }
0x59: {  	_ =	shalt  }
0x5a: {  	_ =	shalt  }
0x5b: {  	_ =	shalt  }
0x5c: {  	_ =	shalt  }
0x5d: {  	_ =	shalt  }
0x5e: {  	_ =	shalt  }
0x5f: {  	_ =	shalt  }
0x60: {  	_ =	shalt  }
0x61: {  	_ =	shalt  }
0x62: {  	_ =	shalt  }
0x63: {  	_ =	shalt  }
0x64: {  	_ =	shalt  }
0x65: {  	_ =	shalt  }
0x66: {  	_ =	shalt  }
0x67: {  	_ =	shalt  }
0x68: {  	_ =	shalt  }
0x69: {  	_ =	shalt  }
0x6a: {  	_ =	shalt  }
0x6b: {  	_ =	shalt  }
0x6c: {  	_ =	shalt  }
0x6d: {  	_ =	shalt  }
0x6e: {  	_ =	shalt  }
0x6f: {  	_ =	shalt  }
0x70: {  	_ =	shalt  }
0x71: {  	_ =	shalt  }
0x72: {  	_ =	shalt  }
0x73: {  	_ =	shalt  }
0x74: {  	_ =	shalt  }
0x75: {  	_ =	shalt  }
0x76: {  	_ =	shalt  }
0x77: {  	_ =	shalt  }
0x78: {  	_ =	shalt  }
0x79: {  	_ =	shalt  }
0x7a: {  	_ =	shalt  }
0x7b: {  	_ =	shalt  }
0x7c: {  	_ =	shalt  }
0x7d: {  	_ =	shalt  }
0x7e: {  	_ =	shalt  }
0x7f: {  	_ =	shalt  }
0x80: {  	_ =	shalt  }
0x81: {  	_ =	shalt  }
0x82: {  	_ =	shalt  }
0x83: {  	_ =	shalt  }
0x84: {  	_ =	shalt  }
0x85: {  	_ =	shalt  }
0x86: {  	_ =	shalt  }
0x87: {  	_ =	shalt  }
.Lfunc_end0:
.L_simem_size_0:
called_computation.1_lowered:
.L_overlay_start_0:
0x88: {  	s2 =	sld [smem:$0x3FD9]  }
0x89: {  	s3 =	sld [smem:$0x3FFE];
	_ =	sdelay $0x1  }
0x8a: {  	s1 =	srdreg.scid  }
0x8b: {  	s0 =	sand.u32 $0x1, s1  }
0x8c: {  	s17 =	sshll.u32 s0, $0xA;
	s2 =	sadd.s32 s3, s2  }
0x8d: {  	s2 =	sadd.s32 s2, s17  }
0x8e: {  	[smem:$0x3FC6] =	sst s2  }
0x8f: {  	_ = 	snop  }
0x90: {  	s2 =	sld [smem:$0x3FD0];
	(tm) =	ssettm $0x1  }
0x91: {  	s18 =	sld [smem:$0x3FFB];
	_ =	sdelay $0x3  }
0x92: {  	_ =	strace s18  }
0x93: {  	s3 =	sld [smem:$0x3FFC];
	_ =	sdelay $0x3  }
0x94: {  	_ =	strace s3  }
0x95: {  	s3 =	sld [smem:$0x3FFD];
	_ =	sdelay $0x3  }
0x96: {  	_ =	strace s3  }
0x97: {  	_ =	strace $0x8FFFFFFF  }
0x98: {  	s19 =	sld [smem:$0x3FDB];
	_ =	sdelay $0x1  }
0x99: {  	s4 =	simm.s32 $_scs_section_size  }
0x9a: {  	s5 =	simm.s32 $_size__tile_overlayer_lowered;
	s6 =	simm.s32 $_tile_overlayer_lowered  }
0x9b: {  	s22 =	simm.s32 $0x1BFF;
	s21 =	sshll.u32 s6, $0x1;
	s3 =	sadd.s32 s4, s19  }
0x9c: {  	s7 =	simm.s32 $0x0;
	s20 =	sshll.u32 s5, $0x1;
	s5 =	sadd.s32 s21, s3  }
0x9d: {  	[timem:s7], [sflag:s22] =	dma.local [hbm:s5], s20  }
0x9e: {  	_ =	swait.ge [sflag:s22], s20  }
0x9f: {  	s4 =	ssub.s32 $0x0, s20;
	[sflag:s22] =	ssyncset.done $0x0  }
0xa0: {  	[sflag:s22] =	ssyncadd.s32 s4;
	_ =	sdelay $0x1  }
0xa1: {  	s23 =	simm.s32 $0x1B8B  }
0xa2: {  	_ =	swait.ge [sflag:s23], $0x1  }
0xa3: {  	[sflag:s23] =	ssyncset.done $0x0  }
0xa4: {  	s25 =	simm.s32 $0x1B8E;
	s24 =	sld [smem:$0x3FFE];
	[sflag:s23] =	ssyncadd.s32 $0xFFFFFFFF  }
0xa5: {  	s26 =	simm.s32 $execute0_lowered;
	[smem:$0x3FD2] =	sst s25  }
0xa6: {  	s5 =	sshll.u32 s26, $0x1;
	_ =	strace $0x80000046;
	[dreg:$0x1] =	wrdreg $0xFFFFFFFF  }
0xa7: {  	s28 =	simm.s32 $_size_execute0_lowered;
	s3 =	sadd.s32 s3, s5;
	[dreg:$0x0] =	wrdreg $0x0  }
0xa8: {  	s5 =	sshll.u32 s28, $0x1;
	[dreg:$0x2] =	wrdreg s3  }
0xa9: {  	[dreg:$0x3] =	wrdreg s5  }
0xaa: {  	[dreg:$0x4] =	wrdreg $0xC0  }
0xab: {  	_ =	task [dreg:s7], $0x5FFFF  }
0xac: {  	[dreg:$0x1] =	wrdreg $0xFFFFFFFF  }
0xad: {  	[dreg:$0x0] =	wrdreg $0x60  }
0xae: {  	[dreg:$0x2] =	wrdreg s24  }
0xaf: {  	[dreg:$0x3] =	wrdreg s2  }
0xb0: {  	[dreg:$0x4] =	wrdreg $0x9  }
0xb1: {  	_ =	task.clear_ibuf [dreg:s7], $0x5FFFF;
	_ =	strace $0x90000046  }
0xb2: {  	s29 =	simm.s32 $0x9;
	_ =	strace $0x80000048  }
0xb3: {  	_ =	swait.ge [sflag:s29], $0x1  }
0xb4: {  	[sflag:s29] =	ssyncadd.s32 $0xFFFFFFFF  }
0xb5: {  	_ =	strace $0x90000048  }
0xb6: {  	_ =	sfence  }
0xb7: {  	s30 =	sld [smem:$0x0];
	_ =	sdelay $0x2  }
0xb8: {  	s31 =	sshll.u32 s1, $0xD;
	s1 =	sshrl.u32 s1, $0x2  }
0xb9: {  	s3 =	sand.u32 $0x4000, s31;
	s1 =	sadd.s32 s1, s30  }
0xba: {  	s0 =	sor.u32 s3, s0;
	s1 =	sshll.u32 s1, $0x11  }
0xbb: {  	s0 =	sor.u32 s1, s0  }
0xbc: {  	s0 =	sadd.s32 $0x8F2B, s0  }
0xbd: {  	[sflag:s0] =	ssyncadd.remote.s32 $0x1  }
0xbe: {  	_ =	sfence.sel $0xFFFF  }
0xbf: {  	[dreg:$0x0] =	wrdreg $0xFFFFFFFF;
	(pc) =	sbr.abs _section_cstart, $3  }
0xc0: {  	[dreg:$0x1] =	wrdreg $0xFFFFFFFF  }
0xc1: {  	_ =	task.clear_ibuf [dreg:s7], $0x2FFFF;
	_ =	strace $0x9FFFFFFF  }
0xc2: {  	(tm) =	ssettm $0x7FFFFFFF  }
0xc3: {  	_ =	shalt  }
tec
execute0_lowered:
.L_overlay_start_1:
0x0: {  	(tag) =	ssettag $0x1  }
0x1: {  	s0 =	srdreg.scid;
	s1 =	rddreg [dreg:$0x0]  }
0x2: {  	s3 =	stileid.u32;
	s2 =	rddreg [dreg:$0x1];
	s9 =	simm.s32 $0x9  }
0x3: {  	s11 =	simm.s32 $0xC8;
	s12 =	simm.s32 $0x4B00;
	s13 =	simm.s32 $0x7D00  }
0x4: {  	s15 =	simm.s32 $0xAF00;
	s16 =	simm.s32 $0x1;
	s17 =	simm.s32 $0xE100  }
0x5: {  	s18 =	simm.s32 $0x2;
	s19 =	simm.s32 $0x3;
	s0 =	sand.u32 $0x1, s0  }
0x6: {  	s20 =	simm.s32 $0x4;
	s4 =	sshll.u32 s3, $0x6;
	s5 =	sshll.u32 s0, $0x5  }
0x7: {  	s21 =	simm.s32 $0x5;
	s22 =	simm.s32 $0x6;
	s4 =	sor.u32 s5, s4  }
0x8: {  	s23 =	simm.s32 $0x7;
	s3 =	simm.s32 $0x0;
	s5 =	smul.u32 $0x19, s4  }
.Ltmp0:
0x9: {  	[smem:$0x7FF] =	sst s3;
	s0 =	ssub.s32 $0x2, s0;
	(pc) =	sbr.rel .LBB2_1-.Ltmp0, $4  }
0xa: {  	s24 =	simm.s32 $0x8;
	_ =	strace $0x80000047;
	s7 =	sshrl.u32 s0, $0x1  }
0xb: {  	s6 =	sadd.s32 s5, s1;
	s5 =	sadd.s32 $0xF43000, s1;
	s1 =	sadd.s32 $0x7000, s1  }
0xc: {  	s0 =	ssub.s32 s0, s7;
	[dreg:$0x3] =	wrdreg s1;
	s31 =	sadd.s32 $0xC00, s6  }
0xd: {  	s25 =	simm.s32 $0x0;
	s8 =	smax.u32 s0, $0x1;
	[dreg:$0x4] =	wrdreg s31  }
.LBB2_12:
0xe: {  	_ =	swait.ge [sflag:s21], $0x3200  }
0xf: {  	[sflag:s21] =	ssyncset.done $0x0  }
0x10: {  	[sflag:s21] =	ssyncadd.s32 $0xFFFFCE00  }
0x11: {  	_ =	swait.ge [sflag:s22], $0x3200  }
0x12: {  	[sflag:s22] =	ssyncset.done $0x0  }
0x13: {  	s25 =	sadd.s32 $0x1, s25;
	[sflag:s22] =	ssyncadd.s32 $0xFFFFCE00  }
0x14: {  	p0 =	sne.s32 s25, s8;
	_ =	swait.ge [sflag:s23], $0x3200  }
.Ltmp1:
0x15: {  	[sflag:s23] =	ssyncset.done $0x0;
	(pc) =	sbr.rel @!p0 .LBB2_13-.Ltmp1, $4  }
0x16: {  	[sflag:s23] =	ssyncadd.s32 $0xFFFFCE00  }
0x17: {  	_ =	swait.ge [sflag:s24], $0x3200  }
0x18: {  	[sflag:s24] =	ssyncset.done $0x0  }
0x19: {  	[sflag:s24] =	ssyncadd.s32 $0xFFFFCE00  }
.LBB2_1:
0x1a: {  	s0 =	rddreg [dreg:$0x4]  }
0x1b: {  	[tilespmem:s3], [sflag:$0x9] =	stream.linear.gather [hbm4b:s0+s3], $0x1900, $0x38;
	[tilespmem:$0x11300] =	vst v63  }
0x1c: {  	_ =	swait.ge [sflag:s9], $0x1900  }
0x1d: {  	[sflag:s9] =	ssyncset.done $0x0  }
0x1e: {  	s1 =	simm.s32 $0x1900;
	s30 =	rddreg [dreg:$0x3];
	[sflag:s9] =	ssyncadd.s32 $0xFFFFE700  }
0x1f: {  	[tilespmem:s1], [sflag:$0x9] =	stream.linear.gather [hbm4b:s30+s3], $0x3200, $0x38;
	[tilespmem:$0x11300] =	vst v63  }
0x20: {  	_ =	swait.ge [sflag:s9], $0x3200  }
0x21: {  	[sflag:s9] =	ssyncset.done $0x0  }
0x22: {  	[sflag:s9] =	ssyncadd.s32 $0xFFFFCE00  }
0x23: {  	[tilespmem:s12], [sflag:$0x1] =	stream.indirect.gather [hbm4b:s5+s11], $0x40, s3, s11, $0xb8;
	[tilespmem:$0x11300] =	vst v63  }
0x24: {  	_ = 	snop  }
0x25: {  	[tilespmem:s13], [sflag:$0x2] =	stream.indirect.gather [hbm4b:s5+s11], $0x40, s11, s11, $0xb8;
	[tilespmem:$0x11300] =	vst v63  }
0x26: {  	s31 =	simm.s32 $0x190;
	s26 =	simm.s32 $0x0  }
0x27: {  	[tilespmem:s15], [sflag:$0x3] =	stream.indirect.gather [hbm4b:s5+s11], $0x40, s31, s11, $0xb8;
	[tilespmem:$0x11300] =	vst v63  }
.LBB2_2:
0x28: {  	_ =	swait.ge [sflag:s16], $0x3200  }
0x29: {  	[sflag:s16] =	ssyncset.done $0x0  }
0x2a: {  	s28 =	simm.s32 $0x4B40;
	[sflag:s16] =	ssyncadd.s32 $0xFFFFCE00  }
0x2b: {  	v0 =	vld [tilespmem:s28+$0x0]  }
0x2c: {  	s10 =	simm.s32 $0x1940  }
0x2d: {  	v1 =	vld [tilespmem:s10+$0x0];
	_ =	sdelay $0x2  }
0x2e: {  	v0 =	vmul.f32 $8.000000000e+00, v0  }
0x2f: {  	v2 =	vld [tilespmem:s28+$0xFFFFFFC0]  }
0x30: {  	v3 =	vld [tilespmem:s10+$0xFFFFFFC0];
	v0 =	vadd.f32 v1, v0  }
0x31: {  	v1 =	vld [tilespmem:s28+$0x10]  }
0x32: {  	v4 =	vld [tilespmem:s28+$0xFFFFFFD0];
	[tilespmem:s28+$0x0] =	vst v0  }
0x33: {  	v0 =	vld [tilespmem:s10+$0x10]  }
0x34: {  	s30 =	simm.s32 $0x4BC0;
	v5 =	vld [tilespmem:s28+$0xFFFFFFE0];
	v2 =	vmul.f32 $8.000000000e+00, v2  }
0x35: {  	v7 =	vld [tilespmem:s30+$0xFFFFFFC0]  }
0x36: {  	s29 =	simm.s32 $0x19C0;
	v2 =	vadd.f32 v3, v2;
	v3 =	vld [tilespmem:s30+$0x0];
	v1 =	vmul.f32 $8.000000000e+00, v1  }
0x37: {  	v8 =	vld [tilespmem:s29+$0xFFFFFFC0]  }
0x38: {  	v0 =	vadd.f32 v0, v1;
	v1 =	vld [tilespmem:s29+$0x0]  }
0x39: {  	v9 =	vld [tilespmem:s28+$0xFFFFFFF0]  }
0x3a: {  	[tilespmem:s28+$0x10] =	vst v0;
	v0 =	vld [tilespmem:s28+$0x20]  }
0x3b: {  	v10 =	vld [tilespmem:s30+$0xFFFFFFD0];
	v3 =	vmul.f32 $8.000000000e+00, v3  }
0x3c: {  	s1 =	simm.s32 $0x4C40;
	v6 =	vld [tilespmem:s10+$0x20]  }
0x3d: {  	v12 =	vld [tilespmem:s1+$0xFFFFFFC0];
	v1 =	vadd.f32 v1, v3  }
0x3e: {  	[tilespmem:s28+$0xFFFFFFC0] =	vst v2;
	v3 =	vld [tilespmem:s30+$0x10]  }
0x3f: {  	v2 =	vld [tilespmem:s10+$0xFFFFFFD0];
	v0 =	vmul.f32 $8.000000000e+00, v0;
	[tilespmem:s30+$0x0] =	vst v1  }
0x40: {  	s0 =	simm.s32 $0x1A40;
	v1 =	vmul.f32 $8.000000000e+00, v4;
	v4 =	vld [tilespmem:s29+$0x10]  }
0x41: {  	v14 =	vld [tilespmem:s0+$0xFFFFFFC0];
	v0 =	vadd.f32 v6, v0;
	v6 =	vmul.f32 $8.000000000e+00, v7  }
0x42: {  	v15 =	vld [tilespmem:s1+$0xFFFFFFD0]  }
0x43: {  	v16 =	vld [tilespmem:s1+$0xFFFFFFE0];
	v3 =	vmul.f32 $8.000000000e+00, v3;
	[tilespmem:s28+$0x20] =	vst v0;
	v0 =	vadd.f32 v8, v6  }
0x44: {  	v1 =	vadd.f32 v2, v1;
	v2 =	vld [tilespmem:s28+$0x30]  }
0x45: {  	v7 =	vld [tilespmem:s30+$0xFFFFFFE0];
	[tilespmem:s30+$0xFFFFFFC0] =	vst v0;
	v0 =	vadd.f32 v4, v3  }
0x46: {  	v3 =	vld [tilespmem:s1+$0x0]  }
0x47: {  	[tilespmem:s30+$0x10] =	vst v0;
	v0 =	vld [tilespmem:s30+$0x20]  }
0x48: {  	v4 =	vld [tilespmem:s0+$0x0]  }
0x49: {  	v11 =	vld [tilespmem:s29+$0x20]  }
0x4a: {  	v13 =	vld [tilespmem:s29+$0xFFFFFFD0]  }
0x4b: {  	v8 =	vld [tilespmem:s30+$0xFFFFFFF0];
	v3 =	vmul.f32 $8.000000000e+00, v3  }
0x4c: {  	[tilespmem:s28+$0xFFFFFFD0] =	vst v1;
	v1 =	vld [tilespmem:s10+$0x30];
	v0 =	vmul.f32 $8.000000000e+00, v0  }
0x4d: {  	v10 =	vmul.f32 $8.000000000e+00, v10;
	v6 =	vld [tilespmem:s10+$0xFFFFFFE0];
	v3 =	vadd.f32 v4, v3  }
0x4e: {  	v0 =	vadd.f32 v11, v0;
	v11 =	vld [tilespmem:s1+$0x10]  }
0x4f: {  	v61 =	vld [tilespmem:s30+$0x30];
	v10 =	vadd.f32 v13, v10;
	v4 =	vmul.f32 $8.000000000e+00, v12;
	[tilespmem:s1+$0x0] =	vst v3  }
0x50: {  	v62 =	vld [tilespmem:s0+$0x10];
	[tilespmem:s30+$0x20] =	vst v0;
	v0 =	vmul.f32 $8.000000000e+00, v5  }
0x51: {  	v63 =	vmul.f32 $8.000000000e+00, v2;
	[tilespmem:s30+$0xFFFFFFD0] =	vst v10;
	v3 =	vadd.f32 v14, v4;
	v4 =	vld [tilespmem:s29+$0x30]  }
0x52: {  	v2 =	vmul.f32 $8.000000000e+00, v7;
	v5 =	vld [tilespmem:s29+$0xFFFFFFE0];
	v6 =	vadd.f32 v6, v0  }
0x53: {  	v7 =	vadd.f32 v1, v63;
	v1 =	vmul.f32 $8.000000000e+00, v8;
	[tilespmem:s1+$0xFFFFFFC0] =	vst v3;
	v3 =	vld [tilespmem:s1+$0xFFFFFFF0];
	v11 =	vmul.f32 $8.000000000e+00, v11  }
0x54: {  	v10 =	vmul.f32 $8.000000000e+00, v61;
	v0 =	vmul.f32 $8.000000000e+00, v9;
	v9 =	vld [tilespmem:s0+$0xFFFFFFD0];
	[tilespmem:s28+$0xFFFFFFE0] =	vst v6  }
0x55: {  	s14 =	simm.s32 $0x4;
	s6 =	simm.s32 $0x4CC0;
	v8 =	vmul.f32 $8.000000000e+00, v16;
	[tilespmem:s28+$0x30] =	vst v7;
	v6 =	vmul.f32 $8.000000000e+00, v15;
	v11 =	vadd.f32 v62, v11;
	v7 =	vld [tilespmem:s10+$0xFFFFFFF0];
	s10 =	simm.s32 $0x1A40  }
.LBB2_3:
0x56: {  	v12 =	vld [tilespmem:s6+$0x0];
	v4 =	vadd.f32 v4, v10  }
0x57: {  	s14 =	sadd.s32 $0x2, s14;
	s0 =	sadd.s32 $0x80, s0;
	[tilespmem:s1+$0x10] =	vst v11;
	v10 =	vld [tilespmem:s1+$0x20];
	v5 =	vadd.f32 v5, v2;
	v2 =	vmov v8  }
0x58: {  	p0 =	slt.u32 s14, $0xC6;
	v8 =	vld [tilespmem:s0+$0x0];
	v3 =	vmul.f32 $8.000000000e+00, v3;
	[tilespmem:s30+$0x30] =	vst v4  }
0x59: {  	v4 =	vadd.f32 v9, v6;
	v6 =	vld [tilespmem:s10+$0x20];
	[tilespmem:s30+$0xFFFFFFE0] =	vst v5  }
0x5a: {  	v5 =	vld [tilespmem:s6+$0xFFFFFFC0];
	v7 =	vadd.f32 v7, v0;
	v0 =	vmov v1;
	v1 =	vmov v3  }
0x5b: {  	v3 =	vld [tilespmem:s0+$0xFFFFFFC0];
	v9 =	vmul.f32 $8.000000000e+00, v12;
	[tilespmem:s1+$0xFFFFFFD0] =	vst v4  }
0x5c: {  	v4 =	vld [tilespmem:s6+$0xFFFFFFD0];
	v10 =	vmul.f32 $8.000000000e+00, v10;
	[tilespmem:s28+$0xFFFFFFF0] =	vst v7;
	s28 =	smov.u32 s30;
	s30 =	smov.u32 s1;
	s1 =	smov.u32 s6  }
0x5d: {  	v7 =	vld [tilespmem:s6+$0xFFFFFFE0];
	v8 =	vadd.f32 v8, v9  }
0x5e: {  	v9 =	vld [tilespmem:s6+$0x10];
	v6 =	vadd.f32 v6, v10  }
0x5f: {  	v5 =	vmul.f32 $8.000000000e+00, v5;
	[tilespmem:s6+$0x0] =	vst v8;
	v10 =	vld [tilespmem:s30+$0x30]  }
0x60: {  	v11 =	vld [tilespmem:s0+$0x10];
	[tilespmem:s30+$0x20] =	vst v6  }
.Ltmp2:
0x61: {  	v3 =	vadd.f32 v3, v5;
	v6 =	vmul.f32 $8.000000000e+00, v4;
	v4 =	vld [tilespmem:s10+$0x30];
	(pc) =	sbr.rel @p0 .LBB2_3-.Ltmp2, $4  }
0x62: {  	v8 =	vmul.f32 $8.000000000e+00, v7;
	v5 =	vld [tilespmem:s10+$0xFFFFFFE0]  }
0x63: {  	[tilespmem:s6+$0xFFFFFFC0] =	vst v3;
	v3 =	vld [tilespmem:s6+$0xFFFFFFF0];
	v7 =	vmul.f32 $8.000000000e+00, v9  }
0x64: {  	v9 =	vld [tilespmem:s0+$0xFFFFFFD0];
	v10 =	vmul.f32 $8.000000000e+00, v10  }
0x65: {  	s6 =	sadd.s32 $0x80, s6;
	v11 =	vadd.f32 v11, v7;
	v7 =	vld [tilespmem:s29+$0xFFFFFFF0];
	s29 =	smov.u32 s10;
	s10 =	smov.u32 s0  }
0x66: {  	_ =	sdelay $0x1  }
0x67: {  	[tilespmem:s1+$0x10] =	vst v11;
	v11 =	vld [tilespmem:s1+$0x20]  }
0x68: {  	v6 =	vadd.f32 v9, v6  }
0x69: {  	v9 =	vld [tilespmem:s10+$0x20]  }
0x6a: {  	[tilespmem:s1+$0xFFFFFFD0] =	vst v6  }
0x6b: {  	v6 =	vld [tilespmem:s10+$0xFFFFFFE0]  }
0x6c: {  	v11 =	vmul.f32 $8.000000000e+00, v11;
	_ =	sdelay $0x1  }
0x6d: {  	v9 =	vadd.f32 v9, v11  }
0x6e: {  	v2 =	vadd.f32 v5, v2;
	v5 =	vld [tilespmem:s1+$0x30]  }
0x6f: {  	[tilespmem:s1+$0x20] =	vst v9;
	v6 =	vadd.f32 v6, v8  }
0x70: {  	[tilespmem:s30+$0xFFFFFFE0] =	vst v2;
	v2 =	vld [tilespmem:s10+$0x30]  }
0x71: {  	v8 =	vld [tilespmem:s29+$0xFFFFFFF0];
	[tilespmem:s1+$0xFFFFFFE0] =	vst v6  }
0x72: {  	v6 =	vld [tilespmem:s10+$0xFFFFFFF0]  }
0x73: {  	v4 =	vadd.f32 v4, v10;
	v5 =	vmul.f32 $8.000000000e+00, v5  }
0x74: {  	v0 =	vadd.f32 v7, v0  }
0x75: {  	v3 =	vmul.f32 $8.000000000e+00, v3;
	[tilespmem:s30+$0x30] =	vst v4;
	s29 =	sshll.u32 s26, $0x2;
	v2 =	vadd.f32 v2, v5  }
0x76: {  	[tilespmem:s28+$0xFFFFFFF0] =	vst v0;
	s0 =	sadd.s32 s4, s29;
	v0 =	vadd.f32 v8, v1  }
0x77: {  	s0 =	smul.u32 $0x640, s0;
	[tilespmem:s1+$0x30] =	vst v2;
	v1 =	vadd.f32 v6, v3  }
0x78: {  	[tilespmem:s30+$0xFFFFFFF0] =	vst v0  }
0x79: {  	p0 =	seq.s32 s26, $0x0;
	s0 =	sadd.s32 s2, s0;
	[tilespmem:s1+$0xFFFFFFF0] =	vst v1  }
0x7a: {  	[hbm4b:s0+s3] =	stream.linear.scatter [tilespmem:s12], [sflag:$0x5], $0x3200, $0x38;
	[tilespmem:$0x11300] =	vst v63  }
0x7b: {  	s28 =	sshllo.u32 s26, $0x2;
	s0 =	simm.s32 @!p0 $0x8  }
0x7c: {  	s10 =	smul.u32 $0x320, s28;
	_ =	swait.ge @!p0 [sflag:s0], $0x3200  }
0x7d: {  	[sflag:s0] =	ssyncset.done @!p0 $0x0  }
0x7e: {  	s14 =	sshra.s32 s10, $0x2;
	[sflag:s0] =	ssyncadd.s32 @!p0 $0xFFFFCE00  }
0x7f: {  	[tilespmem:s17], [sflag:$0x4] =	stream.indirect.gather [hbm4b:s5+s11], $0x40, s14, s11, $0xb8;
	[tilespmem:$0x11300] =	vst v63  }
0x80: {  	_ =	swait.ge [sflag:s18], $0x3200  }
0x81: {  	[sflag:s18] =	ssyncset.done $0x0  }
0x82: {  	s30 =	simm.s32 $0x7D70;
	[sflag:s18] =	ssyncadd.s32 $0xFFFFCE00  }
0x83: {  	v0 =	vld [tilespmem:s30+$0xFFFFFFD0]  }
0x84: {  	s14 =	simm.s32 $0x1940  }
0x85: {  	v1 =	vld [tilespmem:s14+$0x0];
	_ =	sdelay $0x2  }
0x86: {  	v0 =	vmul.f32 $8.000000000e+00, v0  }
0x87: {  	v2 =	vld [tilespmem:s30+$0xFFFFFF90]  }
0x88: {  	v3 =	vld [tilespmem:s14+$0xFFFFFFC0];
	v0 =	vadd.f32 v1, v0  }
0x89: {  	v1 =	vld [tilespmem:s30+$0xFFFFFFE0]  }
0x8a: {  	v4 =	vld [tilespmem:s30+$0xFFFFFFA0];
	[tilespmem:s30+$0xFFFFFFD0] =	vst v0  }
0x8b: {  	v0 =	vld [tilespmem:s14+$0x10]  }
0x8c: {  	s31 =	simm.s32 $0x7DF0;
	v5 =	vld [tilespmem:s30+$0xFFFFFFB0];
	v2 =	vmul.f32 $8.000000000e+00, v2  }
0x8d: {  	v7 =	vld [tilespmem:s31+$0xFFFFFF90]  }
0x8e: {  	s1 =	simm.s32 $0x19C0;
	v2 =	vadd.f32 v3, v2;
	v3 =	vld [tilespmem:s31+$0xFFFFFFD0];
	v1 =	vmul.f32 $8.000000000e+00, v1  }
0x8f: {  	v8 =	vld [tilespmem:s1+$0xFFFFFFC0]  }
0x90: {  	v0 =	vadd.f32 v0, v1;
	v1 =	vld [tilespmem:s1+$0x0]  }
0x91: {  	v9 =	vld [tilespmem:s30+$0xFFFFFFC0]  }
0x92: {  	[tilespmem:s30+$0xFFFFFFE0] =	vst v0;
	v0 =	vld [tilespmem:s30+$0xFFFFFFF0]  }
0x93: {  	v10 =	vld [tilespmem:s31+$0xFFFFFFA0];
	v3 =	vmul.f32 $8.000000000e+00, v3  }
0x94: {  	s0 =	simm.s32 $0x7E70;
	v6 =	vld [tilespmem:s14+$0x20]  }
0x95: {  	v12 =	vld [tilespmem:s0+$0xFFFFFF90];
	v1 =	vadd.f32 v1, v3  }
0x96: {  	[tilespmem:s30+$0xFFFFFF90] =	vst v2;
	v3 =	vld [tilespmem:s31+$0xFFFFFFE0]  }
0x97: {  	v2 =	vld [tilespmem:s14+$0xFFFFFFD0];
	v0 =	vmul.f32 $8.000000000e+00, v0;
	[tilespmem:s31+$0xFFFFFFD0] =	vst v1  }
0x98: {  	s10 =	simm.s32 $0x1A40;
	v1 =	vmul.f32 $8.000000000e+00, v4;
	v4 =	vld [tilespmem:s1+$0x10]  }
0x99: {  	v14 =	vld [tilespmem:s10+$0xFFFFFFC0];
	v0 =	vadd.f32 v6, v0;
	v6 =	vmul.f32 $8.000000000e+00, v7  }
0x9a: {  	v15 =	vld [tilespmem:s0+$0xFFFFFFA0]  }
0x9b: {  	v16 =	vld [tilespmem:s0+$0xFFFFFFB0];
	v3 =	vmul.f32 $8.000000000e+00, v3;
	[tilespmem:s30+$0xFFFFFFF0] =	vst v0;
	v0 =	vadd.f32 v8, v6  }
0x9c: {  	v1 =	vadd.f32 v2, v1;
	v2 =	vld [tilespmem:s30+$0x0]  }
0x9d: {  	v7 =	vld [tilespmem:s31+$0xFFFFFFB0];
	[tilespmem:s31+$0xFFFFFF90] =	vst v0;
	v0 =	vadd.f32 v4, v3  }
0x9e: {  	v3 =	vld [tilespmem:s0+$0xFFFFFFD0]  }
0x9f: {  	[tilespmem:s31+$0xFFFFFFE0] =	vst v0;
	v0 =	vld [tilespmem:s31+$0xFFFFFFF0]  }
0xa0: {  	v4 =	vld [tilespmem:s10+$0x0]  }
0xa1: {  	v11 =	vld [tilespmem:s1+$0x20]  }
0xa2: {  	v13 =	vld [tilespmem:s1+$0xFFFFFFD0]  }
0xa3: {  	v8 =	vld [tilespmem:s31+$0xFFFFFFC0];
	v3 =	vmul.f32 $8.000000000e+00, v3  }
0xa4: {  	[tilespmem:s30+$0xFFFFFFA0] =	vst v1;
	v1 =	vld [tilespmem:s14+$0x30];
	v0 =	vmul.f32 $8.000000000e+00, v0  }
0xa5: {  	v10 =	vmul.f32 $8.000000000e+00, v10;
	v6 =	vld [tilespmem:s14+$0xFFFFFFE0];
	v3 =	vadd.f32 v4, v3  }
0xa6: {  	v0 =	vadd.f32 v11, v0;
	v11 =	vld [tilespmem:s0+$0xFFFFFFE0]  }
0xa7: {  	v61 =	vld [tilespmem:s31+$0x0];
	v10 =	vadd.f32 v13, v10;
	v4 =	vmul.f32 $8.000000000e+00, v12;
	[tilespmem:s0+$0xFFFFFFD0] =	vst v3  }
0xa8: {  	v62 =	vld [tilespmem:s10+$0x10];
	[tilespmem:s31+$0xFFFFFFF0] =	vst v0;
	v0 =	vmul.f32 $8.000000000e+00, v5  }
0xa9: {  	v63 =	vmul.f32 $8.000000000e+00, v2;
	[tilespmem:s31+$0xFFFFFFA0] =	vst v10;
	v3 =	vadd.f32 v14, v4;
	v4 =	vld [tilespmem:s1+$0x30]  }
0xaa: {  	v2 =	vmul.f32 $8.000000000e+00, v7;
	v5 =	vld [tilespmem:s1+$0xFFFFFFE0];
	v6 =	vadd.f32 v6, v0  }
0xab: {  	v7 =	vadd.f32 v1, v63;
	v1 =	vmul.f32 $8.000000000e+00, v8;
	[tilespmem:s0+$0xFFFFFF90] =	vst v3;
	v3 =	vld [tilespmem:s0+$0xFFFFFFC0];
	v11 =	vmul.f32 $8.000000000e+00, v11  }
0xac: {  	v10 =	vmul.f32 $8.000000000e+00, v61;
	v0 =	vmul.f32 $8.000000000e+00, v9;
	v9 =	vld [tilespmem:s10+$0xFFFFFFD0];
	[tilespmem:s30+$0xFFFFFFB0] =	vst v6  }
0xad: {  	s6 =	simm.s32 $0x4;
	s7 =	simm.s32 $0x7EF0;
	v8 =	vmul.f32 $8.000000000e+00, v16;
	[tilespmem:s30+$0x0] =	vst v7;
	v6 =	vmul.f32 $8.000000000e+00, v15;
	v11 =	vadd.f32 v62, v11;
	v7 =	vld [tilespmem:s14+$0xFFFFFFF0];
	s14 =	simm.s32 $0x1A40  }
.LBB2_5:
0xae: {  	v12 =	vld [tilespmem:s7+$0xFFFFFFD0];
	v4 =	vadd.f32 v4, v10  }
0xaf: {  	s6 =	sadd.s32 $0x2, s6;
	s10 =	sadd.s32 $0x80, s10;
	[tilespmem:s0+$0xFFFFFFE0] =	vst v11;
	v10 =	vld [tilespmem:s0+$0xFFFFFFF0];
	v5 =	vadd.f32 v5, v2;
	v2 =	vmov v8  }
0xb0: {  	p0 =	slt.u32 s6, $0xC6;
	v8 =	vld [tilespmem:s10+$0x0];
	v3 =	vmul.f32 $8.000000000e+00, v3;
	[tilespmem:s31+$0x0] =	vst v4  }
0xb1: {  	v4 =	vadd.f32 v9, v6;
	v6 =	vld [tilespmem:s14+$0x20];
	[tilespmem:s31+$0xFFFFFFB0] =	vst v5  }
0xb2: {  	v5 =	vld [tilespmem:s7+$0xFFFFFF90];
	v7 =	vadd.f32 v7, v0;
	v0 =	vmov v1;
	v1 =	vmov v3  }
0xb3: {  	v3 =	vld [tilespmem:s10+$0xFFFFFFC0];
	v9 =	vmul.f32 $8.000000000e+00, v12;
	[tilespmem:s0+$0xFFFFFFA0] =	vst v4  }
0xb4: {  	v4 =	vld [tilespmem:s7+$0xFFFFFFA0];
	v10 =	vmul.f32 $8.000000000e+00, v10;
	[tilespmem:s30+$0xFFFFFFC0] =	vst v7;
	s30 =	smov.u32 s31;
	s31 =	smov.u32 s0;
	s0 =	smov.u32 s7  }
0xb5: {  	v7 =	vld [tilespmem:s7+$0xFFFFFFB0];
	v8 =	vadd.f32 v8, v9  }
0xb6: {  	v9 =	vld [tilespmem:s7+$0xFFFFFFE0];
	v6 =	vadd.f32 v6, v10  }
0xb7: {  	v5 =	vmul.f32 $8.000000000e+00, v5;
	[tilespmem:s7+$0xFFFFFFD0] =	vst v8;
	v10 =	vld [tilespmem:s31+$0x0]  }
0xb8: {  	v11 =	vld [tilespmem:s10+$0x10];
	[tilespmem:s31+$0xFFFFFFF0] =	vst v6  }
.Ltmp3:
0xb9: {  	v3 =	vadd.f32 v3, v5;
	v6 =	vmul.f32 $8.000000000e+00, v4;
	v4 =	vld [tilespmem:s14+$0x30];
	(pc) =	sbr.rel @p0 .LBB2_5-.Ltmp3, $4  }
0xba: {  	v8 =	vmul.f32 $8.000000000e+00, v7;
	v5 =	vld [tilespmem:s14+$0xFFFFFFE0]  }
0xbb: {  	[tilespmem:s7+$0xFFFFFF90] =	vst v3;
	v3 =	vld [tilespmem:s7+$0xFFFFFFC0];
	v7 =	vmul.f32 $8.000000000e+00, v9  }
0xbc: {  	v9 =	vld [tilespmem:s10+$0xFFFFFFD0];
	v10 =	vmul.f32 $8.000000000e+00, v10  }
0xbd: {  	s7 =	sadd.s32 $0x80, s7;
	v11 =	vadd.f32 v11, v7;
	v7 =	vld [tilespmem:s1+$0xFFFFFFF0];
	s1 =	smov.u32 s14;
	s14 =	smov.u32 s10  }
0xbe: {  	_ =	sdelay $0x1  }
0xbf: {  	[tilespmem:s0+$0xFFFFFFE0] =	vst v11;
	v11 =	vld [tilespmem:s0+$0xFFFFFFF0]  }
0xc0: {  	v6 =	vadd.f32 v9, v6  }
0xc1: {  	v9 =	vld [tilespmem:s14+$0x20]  }
0xc2: {  	[tilespmem:s0+$0xFFFFFFA0] =	vst v6  }
0xc3: {  	v6 =	vld [tilespmem:s14+$0xFFFFFFE0]  }
0xc4: {  	v11 =	vmul.f32 $8.000000000e+00, v11;
	_ =	sdelay $0x1  }
0xc5: {  	v9 =	vadd.f32 v9, v11  }
0xc6: {  	v2 =	vadd.f32 v5, v2;
	v5 =	vld [tilespmem:s0+$0x0]  }
0xc7: {  	[tilespmem:s0+$0xFFFFFFF0] =	vst v9;
	v6 =	vadd.f32 v6, v8  }
0xc8: {  	[tilespmem:s31+$0xFFFFFFB0] =	vst v2;
	v2 =	vld [tilespmem:s14+$0x30]  }
0xc9: {  	v8 =	vld [tilespmem:s1+$0xFFFFFFF0];
	[tilespmem:s0+$0xFFFFFFB0] =	vst v6  }
0xca: {  	v6 =	vld [tilespmem:s14+$0xFFFFFFF0]  }
0xcb: {  	v4 =	vadd.f32 v4, v10;
	v5 =	vmul.f32 $8.000000000e+00, v5  }
0xcc: {  	v0 =	vadd.f32 v7, v0  }
0xcd: {  	s29 =	sadd.s32 s29, s4;
	v3 =	vmul.f32 $8.000000000e+00, v3;
	[tilespmem:s31+$0x0] =	vst v4;
	v2 =	vadd.f32 v2, v5  }
0xce: {  	[tilespmem:s30+$0xFFFFFFC0] =	vst v0;
	s1 =	smul.u32 $0x640, s29;
	v0 =	vadd.f32 v8, v1  }
0xcf: {  	[tilespmem:s0+$0x0] =	vst v2;
	v1 =	vadd.f32 v6, v3  }
0xd0: {  	p0 =	seq.s32 s26, $0x7;
	s1 =	sadd.s32 s2, s1;
	[tilespmem:s31+$0xFFFFFFC0] =	vst v0  }
0xd1: {  	s31 =	sadd.s32 $0x640, s1;
	[tilespmem:s0+$0xFFFFFFC0] =	vst v1;
	s0 =	simm.s32 @!p0 $0x5  }
0xd2: {  	[hbm4b:s31+s3] =	stream.linear.scatter [tilespmem:s13], [sflag:$0x6], $0x3200, $0x38;
	[tilespmem:$0x11300] =	vst v63  }
0xd3: {  	s6 =	smul.u32 @!p0 $0xC80, s26;
	_ =	swait.ge @!p0 [sflag:s0], $0x3200  }
0xd4: {  	[sflag:s0] =	ssyncset.done @!p0 $0x0  }
0xd5: {  	[sflag:s0] =	ssyncadd.s32 @!p0 $0xFFFFCE00;
	s0 =	sshra.s32 @!p0 s6, $0x2  }
0xd6: {  	s7 =	simm.s32 @!p0 $0xC8;
	s10 =	simm.s32 @!p0 $0x4B00;
	s6 =	sadd.s32 @!p0 $0x320, s0  }
0xd7: {  	[tilespmem:s10], [sflag:$0x1] =	stream.indirect.gather @!p0 [hbm4b:s5+s7], $0x40, s6, s7, $0xb8;
	[tilespmem:$0x11300] =	vst v63  }
0xd8: {  	_ =	swait.ge [sflag:s19], $0x3200  }
0xd9: {  	[sflag:s19] =	ssyncset.done $0x0  }
0xda: {  	s10 =	simm.s32 $0x0;
	[sflag:s19] =	ssyncadd.s32 $0xFFFFCE00  }
0xdb: {  	v0 =	vld [tilespmem:s10+$0xAF70]  }
0xdc: {  	v1 =	vld [tilespmem:s10+$0xAF00]  }
0xdd: {  	v2 =	vld [tilespmem:s10+$0x1970]  }
0xde: {  	v3 =	vld [tilespmem:s10+$0xAF10]  }
0xdf: {  	v4 =	vld [tilespmem:s10+$0xAF20]  }
0xe0: {  	v8 =	vld [tilespmem:s10+$0xAF30]  }
0xe1: {  	v10 =	vld [tilespmem:s10+$0xAF40]  }
0xe2: {  	v11 =	vld [tilespmem:s10+$0xAF50]  }
0xe3: {  	v12 =	vld [tilespmem:s10+$0xAF60]  }
0xe4: {  	v13 =	vld [tilespmem:s10+$0x1900]  }
0xe5: {  	v9 =	vld [tilespmem:s10+$0x1910];
	v0 =	vmul.f32 $8.000000000e+00, v0  }
0xe6: {  	v6 =	vld [tilespmem:s10+$0x1920];
	v14 =	vmul.f32 $8.000000000e+00, v1  }
0xe7: {  	v7 =	vld [tilespmem:s10+$0x1930];
	v5 =	vmul.f32 $8.000000000e+00, v3;
	v3 =	vmul.f32 $8.000000000e+00, v4;
	v0 =	vadd.f32 v2, v0  }
0xe8: {  	v4 =	vmul.f32 $8.000000000e+00, v8;
	v1 =	vmul.f32 $8.000000000e+00, v10;
	v8 =	vld [tilespmem:s10+$0x1940]  }
0xe9: {  	s6 =	simm.s32 $0x0;
	s7 =	simm.s32 $0x200;
	v10 =	vld [tilespmem:s10+$0x1950];
	v2 =	vmul.f32 $8.000000000e+00, v11;
	v11 =	vadd.f32 v13, v14;
	[tilespmem:s10+$0xAF70] =	vst v0;
	v0 =	vmul.f32 $8.000000000e+00, v12  }
.LBB2_7:
0xea: {  	s14 =	sshra.s32 s7, $0x2;
	s6 =	sadd.s32 $0x2, s6;
	v5 =	vadd.f32 v9, v5;
	v9 =	vld [tilespmem:s10+$0x1960]  }
0xeb: {  	v12 =	vld [tilespmem:s14+$0xAF70];
	p1 =	slt.u32 s6, $0xC6;
	[tilespmem:s10+$0xAF00] =	vst v11;
	v3 =	vadd.f32 v6, v3  }
0xec: {  	v6 =	vld [tilespmem:s14+$0xAF00];
	[tilespmem:s10+$0xAF10] =	vst v5;
	v4 =	vadd.f32 v7, v4  }
0xed: {  	v5 =	vld [tilespmem:s14+$0x1970];
	[tilespmem:s10+$0xAF20] =	vst v3;
	v1 =	vadd.f32 v8, v1  }
0xee: {  	v3 =	vld [tilespmem:s14+$0xAF10];
	[tilespmem:s10+$0xAF30] =	vst v4;
	v2 =	vadd.f32 v10, v2  }
0xef: {  	v4 =	vld [tilespmem:s14+$0xAF20];
	[tilespmem:s10+$0xAF40] =	vst v1;
	v0 =	vadd.f32 v9, v0  }
0xf0: {  	v1 =	vld [tilespmem:s14+$0xAF30];
	v7 =	vmul.f32 $8.000000000e+00, v12;
	[tilespmem:s10+$0xAF50] =	vst v2  }
0xf1: {  	v10 =	vmul.f32 $8.000000000e+00, v6;
	v2 =	vld [tilespmem:s14+$0xAF40];
	[tilespmem:s10+$0xAF60] =	vst v0;
	s10 =	smov.u32 s14  }
0xf2: {  	v0 =	vld [tilespmem:s10+$0xAF50];
	v6 =	vadd.f32 v5, v7  }
0xf3: {  	v5 =	vmul.f32 $8.000000000e+00, v3;
	v11 =	vld [tilespmem:s10+$0xAF60]  }
0xf4: {  	v12 =	vld [tilespmem:s10+$0x1900];
	v3 =	vmul.f32 $8.000000000e+00, v4;
	[tilespmem:s10+$0xAF70] =	vst v6  }
.Ltmp4:
0xf5: {  	v9 =	vld [tilespmem:s10+$0x1910];
	v4 =	vmul.f32 $8.000000000e+00, v1;
	(pc) =	sbr.rel @p1 .LBB2_7-.Ltmp4, $4  }
0xf6: {  	v6 =	vld [tilespmem:s10+$0x1920];
	v1 =	vmul.f32 $8.000000000e+00, v2  }
0xf7: {  	v7 =	vld [tilespmem:s10+$0x1930];
	v2 =	vmul.f32 $8.000000000e+00, v0  }
0xf8: {  	v8 =	vld [tilespmem:s10+$0x1940];
	v0 =	vmul.f32 $8.000000000e+00, v11  }
0xf9: {  	s7 =	sadd.s32 $0x200, s7;
	v11 =	vadd.f32 v12, v10;
	v10 =	vld [tilespmem:s10+$0x1950]  }
0xfa: {  	v5 =	vadd.f32 v9, v5;
	v9 =	vld [tilespmem:s10+$0x1960]  }
0xfb: {  	[tilespmem:s10+$0xAF00] =	vst v11;
	v3 =	vadd.f32 v6, v3  }
0xfc: {  	[tilespmem:s10+$0xAF10] =	vst v5;
	v4 =	vadd.f32 v7, v4  }
0xfd: {  	[tilespmem:s10+$0xAF20] =	vst v3;
	v1 =	vadd.f32 v8, v1  }
0xfe: {  	[tilespmem:s10+$0xAF30] =	vst v4;
	v2 =	vadd.f32 v10, v2  }
0xff: {  	[tilespmem:s10+$0xAF40] =	vst v1;
	v0 =	vadd.f32 v9, v0  }
0x100: {  	[tilespmem:s10+$0xAF50] =	vst v2  }
0x101: {  	s1 =	sadd.s32 $0xC80, s1;
	[tilespmem:s10+$0xAF60] =	vst v0  }
0x102: {  	[hbm4b:s1+s3] =	stream.linear.scatter [tilespmem:s15], [sflag:$0x7], $0x3200, $0x38;
	[tilespmem:$0x11300] =	vst v63  }
0x103: {  	s1 =	simm.s32 @!p0 $0x6  }
0x104: {  	_ =	swait.ge @!p0 [sflag:s1], $0x3200  }
0x105: {  	s0 =	sadd.s32 @!p0 $0x3E8, s0;
	[sflag:s1] =	ssyncset.done @!p0 $0x0  }
0x106: {  	s6 =	simm.s32 @!p0 $0x7D00;
	[sflag:s1] =	ssyncadd.s32 @!p0 $0xFFFFCE00;
	s1 =	simm.s32 @!p0 $0xC8  }
0x107: {  	[tilespmem:s6], [sflag:$0x2] =	stream.indirect.gather @!p0 [hbm4b:s5+s1], $0x40, s0, s1, $0xb8;
	[tilespmem:$0x11300] =	vst v63  }
0x108: {  	_ =	swait.ge [sflag:s20], $0x3200  }
0x109: {  	[sflag:s20] =	ssyncset.done $0x0  }
0x10a: {  	s0 =	simm.s32 $0x0;
	[sflag:s20] =	ssyncadd.s32 $0xFFFFCE00  }
0x10b: {  	v0 =	vld [tilespmem:s0+$0xE170]  }
0x10c: {  	v1 =	vld [tilespmem:s0+$0xE100]  }
0x10d: {  	v2 =	vld [tilespmem:s0+$0x1970]  }
0x10e: {  	v3 =	vld [tilespmem:s0+$0xE110]  }
0x10f: {  	v4 =	vld [tilespmem:s0+$0xE120]  }
0x110: {  	v8 =	vld [tilespmem:s0+$0xE130]  }
0x111: {  	v10 =	vld [tilespmem:s0+$0xE140]  }
0x112: {  	v11 =	vld [tilespmem:s0+$0xE150]  }
0x113: {  	v12 =	vld [tilespmem:s0+$0xE160]  }
0x114: {  	v13 =	vld [tilespmem:s0+$0x1900]  }
0x115: {  	v9 =	vld [tilespmem:s0+$0x1910];
	v0 =	vmul.f32 $8.000000000e+00, v0  }
0x116: {  	v6 =	vld [tilespmem:s0+$0x1920];
	v14 =	vmul.f32 $8.000000000e+00, v1  }
0x117: {  	v7 =	vld [tilespmem:s0+$0x1930];
	v5 =	vmul.f32 $8.000000000e+00, v3;
	v3 =	vmul.f32 $8.000000000e+00, v4;
	v0 =	vadd.f32 v2, v0  }
0x118: {  	v4 =	vmul.f32 $8.000000000e+00, v8;
	v1 =	vmul.f32 $8.000000000e+00, v10;
	v8 =	vld [tilespmem:s0+$0x1940]  }
0x119: {  	s1 =	simm.s32 $0x0;
	s6 =	simm.s32 $0x200;
	v10 =	vld [tilespmem:s0+$0x1950];
	v2 =	vmul.f32 $8.000000000e+00, v11;
	v11 =	vadd.f32 v13, v14;
	[tilespmem:s0+$0xE170] =	vst v0;
	v0 =	vmul.f32 $8.000000000e+00, v12  }
.LBB2_9:
0x11a: {  	s7 =	sshra.s32 s6, $0x2;
	s1 =	sadd.s32 $0x2, s1;
	v5 =	vadd.f32 v9, v5;
	v9 =	vld [tilespmem:s0+$0x1960]  }
0x11b: {  	v12 =	vld [tilespmem:s7+$0xE170];
	p1 =	slt.u32 s1, $0xC6;
	[tilespmem:s0+$0xE100] =	vst v11;
	v3 =	vadd.f32 v6, v3  }
0x11c: {  	v6 =	vld [tilespmem:s7+$0xE100];
	[tilespmem:s0+$0xE110] =	vst v5;
	v4 =	vadd.f32 v7, v4  }
0x11d: {  	v5 =	vld [tilespmem:s7+$0x1970];
	[tilespmem:s0+$0xE120] =	vst v3;
	v1 =	vadd.f32 v8, v1  }
0x11e: {  	v3 =	vld [tilespmem:s7+$0xE110];
	[tilespmem:s0+$0xE130] =	vst v4;
	v2 =	vadd.f32 v10, v2  }
0x11f: {  	v4 =	vld [tilespmem:s7+$0xE120];
	[tilespmem:s0+$0xE140] =	vst v1;
	v0 =	vadd.f32 v9, v0  }
0x120: {  	v1 =	vld [tilespmem:s7+$0xE130];
	v7 =	vmul.f32 $8.000000000e+00, v12;
	[tilespmem:s0+$0xE150] =	vst v2  }
0x121: {  	v10 =	vmul.f32 $8.000000000e+00, v6;
	v2 =	vld [tilespmem:s7+$0xE140];
	[tilespmem:s0+$0xE160] =	vst v0;
	s0 =	smov.u32 s7  }
0x122: {  	v0 =	vld [tilespmem:s0+$0xE150];
	v6 =	vadd.f32 v5, v7  }
0x123: {  	v5 =	vmul.f32 $8.000000000e+00, v3;
	v11 =	vld [tilespmem:s0+$0xE160]  }
0x124: {  	v12 =	vld [tilespmem:s0+$0x1900];
	v3 =	vmul.f32 $8.000000000e+00, v4;
	[tilespmem:s0+$0xE170] =	vst v6  }
.Ltmp5:
0x125: {  	v9 =	vld [tilespmem:s0+$0x1910];
	v4 =	vmul.f32 $8.000000000e+00, v1;
	(pc) =	sbr.rel @p1 .LBB2_9-.Ltmp5, $4  }
0x126: {  	v6 =	vld [tilespmem:s0+$0x1920];
	v1 =	vmul.f32 $8.000000000e+00, v2  }
0x127: {  	v7 =	vld [tilespmem:s0+$0x1930];
	v2 =	vmul.f32 $8.000000000e+00, v0  }
0x128: {  	v8 =	vld [tilespmem:s0+$0x1940];
	v0 =	vmul.f32 $8.000000000e+00, v11  }
0x129: {  	s6 =	sadd.s32 $0x200, s6;
	v11 =	vadd.f32 v12, v10;
	v10 =	vld [tilespmem:s0+$0x1950]  }
0x12a: {  	v5 =	vadd.f32 v9, v5;
	v63 =	vld [tilespmem:s0+$0x1960]  }
0x12b: {  	[tilespmem:s0+$0xE100] =	vst v11;
	v3 =	vadd.f32 v6, v3  }
0x12c: {  	[tilespmem:s0+$0xE110] =	vst v5;
	v4 =	vadd.f32 v7, v4  }
0x12d: {  	[tilespmem:s0+$0xE120] =	vst v3;
	v1 =	vadd.f32 v8, v1  }
.Ltmp6:
0x12e: {  	s1 =	sadd.s32 s4, s28;
	[tilespmem:s0+$0xE130] =	vst v4;
	v2 =	vadd.f32 v10, v2;
	(pc) =	sbr.rel @p0 .LBB2_12-.Ltmp6, $4  }
0x12f: {  	s1 =	smul.u32 $0x640, s1;
	[tilespmem:s0+$0xE140] =	vst v1;
	v0 =	vadd.f32 v63, v0  }
0x130: {  	[tilespmem:s0+$0xE150] =	vst v2  }
0x131: {  	s31 =	sadd.s32 s2, s1;
	[tilespmem:s0+$0xE160] =	vst v0  }
0x132: {  	[hbm4b:s31+s3] =	stream.linear.scatter [tilespmem:s17], [sflag:$0x8], $0x3200, $0x38;
	[tilespmem:$0x11300] =	vst v63  }
0x133: {  	s0 =	smul.u32 $0xC80, s26  }
.Ltmp7:
0x134: {  	_ = 	snop;
	(pc) =	sbr.rel .LBB2_2-.Ltmp7, $4  }
0x135: {  	_ =	swait.ge [sflag:s23], $0x3200  }
0x136: {  	[sflag:s23] =	ssyncset.done $0x0;
	s0 =	sshra.s32 s0, $0x2  }
0x137: {  	s26 =	sadd.s32 $0x1, s26;
	[sflag:s23] =	ssyncadd.s32 $0xFFFFCE00;
	s0 =	sadd.s32 $0x4B0, s0  }
0x138: {  	[tilespmem:s15], [sflag:$0x3] =	stream.indirect.gather [hbm4b:s5+s11], $0x40, s0, s11, $0xb8;
	[tilespmem:$0x11300] =	vst v63  }
.LBB2_13:
0x139: {  	_ =	sfence.sel $0x180000  }
0x13a: {  	[bflag:$0x0] =	sbarrier.arrive $0xFFFF  }
0x13b: {  	_ =	strace $0x90000047  }
0x13c: {  	s0 =	stileid.u32;
	[bflag:$0x2] =	sbarrier.arrive $0xFFFF  }
0x13d: {  	p0 =	sne.s32 s0, $0x0;
	s0 =	rddreg [dreg:$0x2]  }
0x13e: {  	s0 =	sadd.s32 @!p0 $0x100000, s0  }
0x13f: {  	[sflag:s0] =	ssyncadd.tile.s32 @!p0 $0x1;
	_ =	shalt  }
.Lfunc_end2:
_tile_overlayer_lowered:
.L_overlay_start_2:
0x140: {  	(tag) =	ssettag $0x2  }
0x141: {  	s0 =	rddreg [dreg:$0x0];
	s2 =	stileid.u32  }
0x142: {  	s1 =	rddreg [dreg:$0x1];
	p0 =	sne.s32 s2, $0x0  }
0x143: {  	s3 =	rddreg [dreg:$0x2];
	[bflag:$0x3] =	sbarrier.arrive $0xFFFF;
	s2 =	simm.s32 @!p0 $0x1C09  }
0x144: {  	[timem:s3], [sflag:s2] =	dma.local @!p0 [hbm:s0], s1  }
0x145: {  	s0 =	simm.s32 @!p0 $0x9  }
0x146: {  	_ =	swait.ge @!p0 [sflag:s0], s1  }
0x147: {  	s1 =	ssub.s32 @!p0 $0x0, s1;
	[sflag:s0] =	ssyncset.done @!p0 $0x0  }
0x148: {  	[sflag:s0] =	ssyncadd.s32 @!p0 s1  }
0x149: {  	[bflag:$0x3] =	sbarrier.arrive $0xFFFF  }
0x14a: {  	_ =	shalt  }

// kernel: sparse-core-data-format-call.cloned.1.call-start
scs
called_computation_lowered:
.L_overlay_start_0:
0x0: {  	s2 =	sld [smem:$0x3FD9]  }
0x1: {  	s3 =	sld [smem:$0x3FFE];
	_ =	sdelay $0x1  }
0x2: {  	s1 =	srdreg.scid  }
0x3: {  	s0 =	sand.u32 $0x1, s1  }
0x4: {  	s18 =	sshll.u32 s0, $0xA;
	s2 =	sadd.s32 s3, s2  }
0x5: {  	s2 =	sadd.s32 s2, s18  }
0x6: {  	[smem:$0x3FC6] =	sst s2  }
0x7: {  	_ = 	snop  }
0x8: {  	s2 =	sld [smem:$0x3FD0];
	(tm) =	ssettm $0x1  }
0x9: {  	s19 =	sld [smem:$0x3FFB];
	_ =	sdelay $0x3  }
0xa: {  	_ =	strace s19  }
0xb: {  	s3 =	sld [smem:$0x3FFC];
	_ =	sdelay $0x3  }
0xc: {  	_ =	strace s3  }
0xd: {  	s3 =	sld [smem:$0x3FFD];
	_ =	sdelay $0x3  }
0xe: {  	_ =	strace s3  }
0xf: {  	_ =	strace $0x8FFFFFFF  }
0x10: {  	s20 =	sld [smem:$0x3FDB];
	_ =	sdelay $0x1  }
0x11: {  	s4 =	simm.s32 $_scs_section_size  }
0x12: {  	s5 =	simm.s32 $_size__tile_overlayer_lowered;
	s6 =	simm.s32 $_tile_overlayer_lowered  }
0x13: {  	s23 =	simm.s32 $0x1BFF;
	s22 =	sshll.u32 s6, $0x1;
	s3 =	sadd.s32 s4, s20  }
0x14: {  	s7 =	simm.s32 $0x0;
	s21 =	sshll.u32 s5, $0x1;
	s5 =	sadd.s32 s22, s3  }
0x15: {  	[timem:s7], [sflag:s23] =	dma.local [hbm:s5], s21  }
0x16: {  	_ =	swait.ge [sflag:s23], s21  }
0x17: {  	s4 =	ssub.s32 $0x0, s21;
	[sflag:s23] =	ssyncset.done $0x0  }
0x18: {  	[sflag:s23] =	ssyncadd.s32 s4;
	_ =	sdelay $0x1  }
0x19: {  	s24 =	simm.s32 $0x1B8B  }
0x1a: {  	_ =	swait.ge [sflag:s24], $0x1  }
0x1b: {  	[sflag:s24] =	ssyncset.done $0x0  }
0x1c: {  	s26 =	simm.s32 $0x1B8E;
	s25 =	sld [smem:$0x3FFE];
	[sflag:s24] =	ssyncadd.s32 $0xFFFFFFFF  }
0x1d: {  	s27 =	simm.s32 $execute0_lowered;
	[smem:$0x3FD2] =	sst s26  }
0x1e: {  	s5 =	sshll.u32 s27, $0x1;
	_ =	strace $0x80000049;
	[dreg:$0x1] =	wrdreg $0xFFFFFFFF  }
0x1f: {  	s28 =	simm.s32 $_size_execute0_lowered;
	s3 =	sadd.s32 s3, s5;
	[dreg:$0x0] =	wrdreg $0x0  }
0x20: {  	s5 =	sshll.u32 s28, $0x1;
	[dreg:$0x2] =	wrdreg s3  }
0x21: {  	[dreg:$0x3] =	wrdreg s5  }
0x22: {  	[dreg:$0x4] =	wrdreg $0xC0  }
0x23: {  	_ =	task [dreg:s7], $0x5FFFF  }
0x24: {  	[dreg:$0x1] =	wrdreg $0xFFFFFFFF  }
0x25: {  	[dreg:$0x0] =	wrdreg $0x60  }
0x26: {  	[dreg:$0x2] =	wrdreg s25  }
0x27: {  	[dreg:$0x3] =	wrdreg s2  }
0x28: {  	[dreg:$0x4] =	wrdreg $0x9  }
0x29: {  	_ =	task.clear_ibuf [dreg:s7], $0x5FFFF;
	_ =	strace $0x90000049  }
0x2a: {  	s29 =	simm.s32 $0x9;
	_ =	strace $0x8000004B  }
0x2b: {  	_ =	swait.ge [sflag:s29], $0x1  }
0x2c: {  	[sflag:s29] =	ssyncadd.s32 $0xFFFFFFFF  }
0x2d: {  	_ =	strace $0x9000004B  }
0x2e: {  	_ =	sfence  }
0x2f: {  	s30 =	sld [smem:$0x0];
	_ =	sdelay $0x2  }
0x30: {  	s31 =	sshll.u32 s1, $0xD;
	s1 =	sshrl.u32 s1, $0x2  }
0x31: {  	s3 =	sand.u32 $0x4000, s31;
	s1 =	sadd.s32 s1, s30  }
0x32: {  	s0 =	sor.u32 s3, s0;
	s1 =	sshll.u32 s1, $0x11  }
0x33: {  	s0 =	sor.u32 s1, s0  }
0x34: {  	s0 =	sadd.s32 $0x8F2B, s0  }
0x35: {  	[sflag:s0] =	ssyncadd.remote.s32 $0x1  }
0x36: {  	_ =	sfence.sel $0xFFFF  }
0x37: {  	[dreg:$0x0] =	wrdreg $0xFFFFFFFF;
	(pc) =	sbr.abs _section_cstart, $3  }
0x38: {  	[dreg:$0x1] =	wrdreg $0xFFFFFFFF  }
0x39: {  	_ =	task.clear_ibuf [dreg:s7], $0x2FFFF;
	_ =	strace $0x9FFFFFFF  }
0x3a: {  	(tm) =	ssettm $0x7FFFFFFF  }
0x3b: {  	_ =	shalt  }
tec
execute0_lowered:
.L_overlay_start_1:
0x0: {  	(tag) =	ssettag $0x1  }
0x1: {  	s0 =	stileid.u32;
	s6 =	rddreg [dreg:$0x0]  }
0x2: {  	s2 =	rddreg [dreg:$0x1];
	s5 =	srdreg.scid  }
0x3: {  	s31 =	simm.s32 $0x2;
	s13 =	simm.s32 $0x0;
	s1 =	sshll.u32 s0, $0x7  }
0x4: {  	s14 =	simm.s32 $0x0;
	s12 =	simm.s32 $0x0;
	s3 =	sand.u32 $0x380, s1  }
0x5: {  	s5 =	sshll.u32 s5, $0x4;
	s6 =	sadd.s32 $0xC00, s6;
	s4 =	ssub.s32 $0x400, s3  }
0x6: {  	s1 =	rddreg [dreg:$0x2];
	_ =	strace $0x8000004A;
	s7 =	sand.u32 $0x380, s4  }
0x7: {  	s5 =	sand.u32 $0x10, s5;
	p0 =	sne.s32 s7, $0x0;
	s7 =	simm.s32 $0x1  }
.Ltmp0:
0x8: {  	s8 =	sshrl.u32 s4, $0xA;
	s7 =	simm.s32 @!p0 $0x0;
	(pc) =	sbr.rel .LBB1_1-.Ltmp0, $4  }
0x9: {  	s9 =	sor.u32 s0, s5;
	s4 =	simm.s32 $0x1;
	s30 =	sadd.s32 s7, s8  }
0xa: {  	s11 =	smov.u32 s3;
	[sflag:s4] =	ssyncpa.u1 $0x0;
	s5 =	smul.u32 $0x32, s30  }
0xb: {  	[sflag:s31] =	ssyncpa.u1 $0x0;
	p0 =	por $0x0, $0x0;
	s7 =	sshrl.u32 s9, $0x3  }
0xc: {  	s9 =	simm.s32 $0x2000;
	s10 =	smov.u32 s7;
	s8 =	sor.u32 $0x1, s5  }
.LBB1_4:
0xd: {  	s17 =	sand.u32 $0x1F80, s14;
	s13 =	sshll.u32 s13, $0xD  }
0xe: {  	[tilespmem:s16+$0x810 ss:$0x81] =	vst.msk $0xffff, v2;
	s18 =	sshrl.u32 s14, $0x3;
	s31 =	sand.u32 $0x7, s14;
	s17 =	sadd.s32 s2, s17  }
0xf: {  	[tilespmem:s16+$0x1020 ss:$0x81] =	vst.msk $0xffff, v0;
	s18 =	sand.u32 $0xF, s18;
	s14 =	sshll.u32 s31, $0x12;
	s13 =	sadd.s32 s13, s17  }
0x10: {  	[tilespmem:s16+$0x0 ss:$0x81] =	vst.msk $0xffff, v1;
	s14 =	sor.u32 $0x400, s14;
	s13 =	sadd.s32 s18, s13  }
0x11: {  	[hbm4b:s13+s14] =	stream.strided.scatter [tilespmem:s15], [sflag:$0x2], $0x2000, s9, s14, $0x20;
	[tilespmem:$0x8080] =	vst v63  }
.LBB1_5:
0x12: {  	s15 =	sadd.s32 $0x4, s10  }
0x13: {  	s13 =	sadd.s32 $0x400, s11;
	s17 =	smov.u32 s11;
	p2 =	sgt.s32 s15, $0xC7  }
0x14: {  	s17 =	smov.u32 @p2 s13  }
0x15: {  	s15 =	smov.u32 @p2 s7;
	p2 =	sgt.s32 s17, $0x3FF  }
0x16: {  	s17 =	smov.u32 @p2 s3;
	p2 =	sne.s32 s12, s8  }
.Ltmp1:
0x17: {  	p1 =	slt.u32 s12, $0x2;
	(pc) =	sbr.rel @!p2 .LBB1_6-.Ltmp1, $4  }
0x18: {  	s16 =	simm.s32 @!p1 $0x2  }
0x19: {  	s14 =	smov.u32 s11;
	p0 =	por !p0, !p0;
	_ =	swait.ge @!p1 [sflag:s16], $0x2000  }
0x1a: {  	s13 =	smov.u32 s10;
	[sflag:s16] =	ssyncset.done @!p1 $0x0;
	s10 =	smov.u32 s15  }
0x1b: {  	s12 =	sadd.s32 $0x1, s12;
	[sflag:s16] =	ssyncadd.s32 @!p1 $0xFFFFE000;
	s11 =	smov.u32 s17  }
.LBB1_1:
0x1c: {  	p1 =	sge.u32 s12, s5  }
0x1d: {  	s15 =	sand.u32 @!p1 $0x1FFFFFF, s10  }
0x1e: {  	s16 =	smulhi.u32 @!p1 $0x147AE15, s15;
	_ =	sdelay $0x1  }
0x1f: {  	s16 =	smul.u32 @!p1 $0xC8, s16  }
0x20: {  	s17 =	sxor.u32 @!p1 $0xFFFFFFFF, s12;
	s18 =	smul.u32 @!p1 $0xC80, s11  }
0x21: {  	s31 =	sadd.s32 $0xFFFFFFFF, s12;
	s17 =	sshll.u32 @!p1 s17, $0xD;
	s15 =	ssub.s32 @!p1 s15, s16  }
0x22: {  	s16 =	sand.u32 @!p1 $0x2000, s17;
	s17 =	sadd.s32 @!p1 s6, s18;
	s15 =	sshll.u32 @!p1 s15, $0x4  }
0x23: {  	s18 =	simm.s32 @!p1 $0x6400;
	s15 =	sadd.s32 @!p1 s15, s17;
	s17 =	simm.s32 @!p1 $0x40  }
0x24: {  	[tilespmem:s16], [sflag:$0x1] =	stream.strided.gather @!p1 [hbm4b:s15+s17], $0x2000, s18, s17, $0x38;
	[tilespmem:$0x8080] =	vst v63  }
0x25: {  	p1 =	sge.u32 s31, s5  }
.Ltmp2:
0x26: {  	_ = 	snop;
	(pc) =	sbr.rel @p1 .LBB1_5-.Ltmp2, $1  }
0x27: {  	_ =	sdelay $0x3  }
0x28: {  	s15 =	simm.s32 $0x1  }
0x29: {  	_ =	swait.ge [sflag:s4], $0x2000;
	s15 =	simm.s32 @!p0 $0x0  }
0x2a: {  	[sflag:s4] =	ssyncset.done $0x0;
	s16 =	sshll.u32 s15, $0xD  }
0x2b: {  	[sflag:s4] =	ssyncadd.s32 $0xFFFFE000;
	s19 =	sor.u32 $0x20, s16  }
0x2c: {  	s15 =	smul.u32 $0x8100, s15;
	v3 =	vld [tilespmem:s19+$0x10]  }
0x2d: {  	s30 =	sand.u32 $0x1, s12;
	v2 =	vld [tilespmem:s19+$0xFFFFFFF0]  }
0x2e: {  	s16 =	smul.u32 $0x8100, s30;
	s15 =	sshrl.u32 s15, $0x2;
	v0 =	vld [tilespmem:s19+$0x0]  }
0x2f: {  	v1 =	vld [tilespmem:s19+$0xFFFFFFE0];
	s17 =	sor.u32 $0x4000, s15  }
0x30: {  	s31 =	sshrl.u32 s16, $0x2;
	s16 =	sadd.s32 $0x0, s17  }
0x31: {  	s18 =	simm.s32 $0x4;
	s19 =	sadd.s32 $0x40, s19;
	s15 =	sor.u32 $0x4000, s31;
	[tilespmem:s16+$0x1830 ss:$0x81] =	vst.msk $0xffff, v3  }
.LBB1_3:
0x32: {  	v3 =	vld [tilespmem:s19+$0x10];
	p1 =	sne.s32 s18, $0x1FC;
	[tilespmem:s16+$0x810 ss:$0x81] =	vst.msk $0xffff, v2;
	s20 =	smov.u32 s18;
	s18 =	sadd.s32 $0x4, s18  }
.Ltmp3:
0x33: {  	v2 =	vld [tilespmem:s19+$0xFFFFFFF0];
	[tilespmem:s16+$0x1020 ss:$0x81] =	vst.msk $0xffff, v0;
	(pc) =	sbr.rel @p1 .LBB1_3-.Ltmp3, $4  }
0x34: {  	v0 =	vld [tilespmem:s19+$0x0];
	[tilespmem:s16+$0x0 ss:$0x81] =	vst.msk $0xffff, v1  }
0x35: {  	s16 =	sshra.s32 s20, $0x2;
	v1 =	vld [tilespmem:s19+$0xFFFFFFE0]  }
0x36: {  	s16 =	sadd.s32 s16, s17  }
0x37: {  	s19 =	sadd.s32 $0x40, s19;
	[tilespmem:s16+$0x1830 ss:$0x81] =	vst.msk $0xffff, v3  }
.Ltmp4:
0x38: {  	_ = 	snop;
	(pc) =	sbr.rel .LBB1_4-.Ltmp4, $1  }
0x39: {  	_ =	sdelay $0x3  }
.LBB1_6:
0x3a: {  	_ =	sfence.sel $0x180000  }
0x3b: {  	s2 =	simm.s32 $0x1;
	[bflag:$0x0] =	sbarrier.arrive $0xFFFF  }
0x3c: {  	s31 =	simm.s32 $0x2;
	[sflag:s2] =	ssyncpa.u1 $0x1  }
0x3d: {  	[sflag:s31] =	ssyncpa.u1 $0x1  }
0x3e: {  	p0 =	sne.s32 s0, $0x0;
	_ =	strace $0x9000004A  }
0x3f: {  	s0 =	sadd.s32 @!p0 $0x100000, s1;
	[bflag:$0x2] =	sbarrier.arrive $0xFFFF  }
0x40: {  	[sflag:s0] =	ssyncadd.tile.s32 @!p0 $0x1;
	_ =	shalt  }
.Lfunc_end1:
_tile_overlayer_lowered:
.L_overlay_start_2:
0x41: {  	(tag) =	ssettag $0x2  }
0x42: {  	s0 =	rddreg [dreg:$0x0];
	s2 =	stileid.u32  }
0x43: {  	s1 =	rddreg [dreg:$0x1];
	p0 =	sne.s32 s2, $0x0  }
0x44: {  	s3 =	rddreg [dreg:$0x2];
	[bflag:$0x3] =	sbarrier.arrive $0xFFFF;
	s2 =	simm.s32 @!p0 $0x1C01  }
0x45: {  	[timem:s3], [sflag:s2] =	dma.local @!p0 [hbm:s0], s1  }
0x46: {  	s0 =	simm.s32 @!p0 $0x1  }
0x47: {  	_ =	swait.ge @!p0 [sflag:s0], s1  }
0x48: {  	s1 =	ssub.s32 @!p0 $0x0, s1;
	[sflag:s0] =	ssyncset.done @!p0 $0x0  }
0x49: {  	[sflag:s0] =	ssyncadd.s32 @!p0 s1  }
0x4a: {  	[bflag:$0x3] =	sbarrier.arrive $0xFFFF  }
0x4b: {  	_ =	shalt  }

</sc_bundles>
